<compile_context>
chip_gen: v7x
topology: tpu7x:2x2x1
jax: 0.10.2.dev20260603
libtpu: 0.0.44.dev20260713+nightly
codegen_flags: <defaults>
</compile_context>

<pallas_src>
import functools

import jax
import jax.numpy as jnp
from jax import lax
from jax.experimental import pallas as pl
from jax.experimental.pallas import tpu as pltpu
from jax.experimental.pallas import tpu_sc as plsc

_B, _T, _S, _H, _V = 4, 512, 512, 1024, 32110
_VT = 1024
_NJ = (_V + _VT - 1) // _VT


def _logits_body(ids_ref, attn_t_ref, out_ref):
    j = pl.program_id(0)
    iota_v = lax.broadcasted_iota(jnp.int32, (_VT, _S), 0) + j * _VT
    for b in range(_B):
        ids_b = ids_ref[b, 0, :]
        onehot_t = (iota_v == ids_b[None, :]).astype(jnp.bfloat16)
        a_b = attn_t_ref[b]
        out_ref[:, b, :] = jnp.dot(onehot_t, a_b,
                                   preferred_element_type=jnp.float32)


_logits_t = pl.pallas_call(
    _logits_body,
    grid=(_NJ,),
    in_specs=[
        pl.BlockSpec((_B, 1, _S), lambda j: (0, 0, 0)),
        pl.BlockSpec((_B, _S, _T), lambda j: (0, 0, 0)),
    ],
    out_specs=pl.BlockSpec((_VT, _B, _T), lambda j: (j, 0, 0)),
    out_shape=jax.ShapeDtypeStruct((_V, _B, _T), jnp.float32),
    compiler_params=pltpu.CompilerParams(
        dimension_semantics=("parallel",)),
)


_NC, _NS = 2, 16
_NW = _NC * _NS
_RPW = _B * _T // _NW


def _pgen_sc_body(dec_hbm, seq_hbm, w_hbm, out_hbm, w_v, dbuf, sbuf, acc_v):
    c = lax.axis_index("c")
    s = lax.axis_index("s")
    wid = s * _NC + c
    b = wid // (_NW // _B)
    t0w = wid * _RPW - b * _T
    pltpu.sync_copy(w_hbm, w_v)

    for chunk in range(2):
        t0c = t0w + chunk * 32
        pltpu.sync_copy(dec_hbm.at[b, pl.ds(t0c, 32)], dbuf)
        pltpu.sync_copy(seq_hbm.at[b, pl.ds(t0c, 32)], sbuf)

        iota16 = lax.iota(jnp.int32, 16)

        def grp_body(gr, cy):
            def row_body(r16, vec):
                r = gr * 16 + r16

                def h_body(h, a16):
                    o = h * 64
                    for u in range(4):
                        a16 = (a16
                               + dbuf[r, pl.ds(o + u * 16, 16)]
                               * w_v[pl.ds(o + u * 16, 16)]
                               + sbuf[r, pl.ds(o + u * 16, 16)]
                               * w_v[pl.ds(_H + o + u * 16, 16)])
                    return a16

                a16 = lax.fori_loop(0, _H // 64, h_body,
                                    jnp.zeros((16,), jnp.float32))
                return jnp.where(iota16 == r16, jnp.sum(a16), vec)

            vec = lax.fori_loop(0, 16, row_body,
                                jnp.zeros((16,), jnp.float32))
            acc_v[pl.ds(chunk * 32 + gr * 16, 16)] = vec
            return cy

        lax.fori_loop(0, 2, grp_body, 0)

    bias = w_v[pl.ds(2 * _H, 16)]

    def sig_body(g, cy):
        x = acc_v[pl.ds(g * 16, 16)] + bias
        acc_v[pl.ds(g * 16, 16)] = 1.0 / (1.0 + jnp.exp(-x))
        return cy

    lax.fori_loop(0, _RPW // 16, sig_body, 0)
    pltpu.sync_copy(acc_v, out_hbm.at[pl.ds(wid * _RPW, _RPW)])


_pgen_sc = functools.partial(
    pl.kernel,
    out_type=jax.ShapeDtypeStruct((_B * _T,), jnp.float32),
    mesh=plsc.VectorSubcoreMesh(core_axis_name="c", subcore_axis_name="s",
                                num_cores=_NC, num_subcores=_NS),
    compiler_params=pltpu.CompilerParams(needs_layout_passes=False),
    scratch_types=[
        pltpu.VMEM((2 * _H + 16,), jnp.float32),
        pltpu.VMEM((32, _H), jnp.float32),
        pltpu.VMEM((32, _H), jnp.float32),
        pltpu.VMEM((_RPW,), jnp.float32),
    ],
)(_pgen_sc_body)


def kernel(decoder_input_embeds, sequence_output, cross_attentions,
           input_ids_to_copy, W, b):
    wvec = jnp.concatenate([W[:, 0], jnp.broadcast_to(b, (16,))])
    p_gen = _pgen_sc(decoder_input_embeds, sequence_output,
                     wvec).reshape(_B, _T, 1)
    attn_t = cross_attentions.transpose(0, 2, 1).astype(jnp.bfloat16)
    out_t = _logits_t(input_ids_to_copy.reshape(_B, 1, _S), attn_t)
    logits = out_t.transpose(1, 2, 0)
    return (p_gen, logits)

# --- scband reference (transcript-rebuilt; emitter-appended) ---
"""Pipeline reference for scband-copy-mech-module-15814069584249 (READ-ONLY COPY).

The authoritative reference and input builder live on the scoring server;
editing this copy changes nothing except your own understanding.
"""

import jax, jax.numpy as jnp
import numpy as np

B, TDEC, TSRC, H, V = 4, 512, 512, 1024, 32110


def setup_inputs(seed: int = 0) -> dict:
    key = jax.random.key(seed)
    k1, k2, k3, k4, k5 = jax.random.split(key, 5)
    decoder_input_embeds = jax.random.normal(k1, (B, TDEC, H), dtype=jnp.float32)
    sequence_output = jax.random.normal(k2, (B, TDEC, H), dtype=jnp.float32)
    cross_attentions = jax.random.uniform(k3, (B, TDEC, TSRC), dtype=jnp.float32)
    input_ids_to_copy = jax.random.randint(k4, (B, TSRC), 0, V, dtype=jnp.int32)
    # p_gen_head = Linear(2H -> 1) followed by Sigmoid
    W = jax.random.normal(k5, (2 * H, 1), dtype=jnp.float32) / jnp.sqrt(2.0 * H)
    b = jnp.zeros((1,), dtype=jnp.float32)
    return {
        "decoder_input_embeds": decoder_input_embeds,
        "sequence_output": sequence_output,
        "cross_attentions": cross_attentions,
        "input_ids_to_copy": input_ids_to_copy,
        "W": W,
        "b": b,
    }


def reference(decoder_input_embeds, sequence_output, cross_attentions, input_ids_to_copy, W, b):
    # total_states = cat(decoder_input_embeds, sequence_output); p_gen = sigmoid(Linear(total_states))
    total_states = jnp.concatenate((decoder_input_embeds, sequence_output), axis=-1)
    p_gen = jax.nn.sigmoid(total_states @ W + b)
    # logits = cross_attentions @ one_hot(input_ids_to_copy, V)
    # Implemented as a scatter-add over vocab columns (mathematically identical,
    # and maps to SparseCore scatter instead of a dense [B,T_src,V] one-hot matmul):
    # logits[b, t, v] = sum_{s : ids[b,s]==v} attn[b, t, s]
    def scat(attn, ids):
        # attn: [TDEC, TSRC], ids: [TSRC]
        return jnp.zeros((attn.shape[0], V), dtype=attn.dtype).at[:, ids].add(attn)

    logits = jax.vmap(scat)(cross_attentions, input_ids_to_copy)
    return (p_gen, logits)

if __name__ == "__main__":
    import jax
    _d = setup_inputs()
    print(jax.jit(kernel)(*tuple(_d.values())))

</pallas_src>

<mosaic_0001>
#map = affine_map<(d0, d1) -> (0, 0, 0)>
#map1 = affine_map<(d0, d1) -> (0)>
module attributes {stable_mosaic.version = 14 : i64} {
  func.func @_pgen_sc_body(%arg0: i32, %arg1: i32, %arg2: memref<4x512x1024xf32, #tpu.memory_space<hbm>>, %arg3: memref<4x512x1024xf32, #tpu.memory_space<hbm>>, %arg4: memref<2064xf32, #tpu.memory_space<hbm>>, %arg5: memref<2048xf32, #tpu.memory_space<hbm>>, %arg6: memref<2064xf32, #tpu.memory_space<vmem>>, %arg7: memref<32x1024xf32, #tpu.memory_space<vmem>>, %arg8: memref<32x1024xf32, #tpu.memory_space<vmem>>, %arg9: memref<64xf32, #tpu.memory_space<vmem>>) attributes {dimension_semantics = [#tpu.dimension_semantics<core_parallel>, #tpu.dimension_semantics<subcore_parallel>], iteration_bounds = array<i64: 2, 16>, scalar_prefetch = 0 : i64, scratch_operands = 4 : i64, tpu.core_type = #tpu.core_type<sc_vector_subcore>, window_params = [{transform_indices = #map}, {transform_indices = #map}, {transform_indices = #map1}, {transform_indices = #map1}]} {
    %mul3A = arith.constant 2 : i32
    %mul3A_0 = arith.muli %arg1, %mul3A : i32
    %add3A = arith.addi %mul3A_0, %arg0 : i32
    %jit3A = arith.constant 8 : i32
    %div3A = arith.divsi %add3A, %jit3A : i32
    %sign3A = arith.constant 0 : i32
    %sign3A_1 = arith.cmpi sgt, %add3A, %sign3A : i32
    %sign3A_2 = arith.extui %sign3A_1 : i1 to i32
    %sign3A_3 = arith.constant 0 : i32
    %sign3A_4 = arith.cmpi slt, %add3A, %sign3A_3 : i32
    %sign3A_5 = arith.extui %sign3A_4 : i1 to i32
    %sign3A_6 = arith.subi %sign3A_2, %sign3A_5 : i32
    %sign3A_7 = arith.constant 0 : i32
    %sign3A_8 = arith.cmpi sgt, %jit3A, %sign3A_7 : i32
    %sign3A_9 = arith.extui %sign3A_8 : i1 to i32
    %sign3A_10 = arith.constant 0 : i32
    %sign3A_11 = arith.cmpi slt, %jit3A, %sign3A_10 : i32
    %sign3A_12 = arith.extui %sign3A_11 : i1 to i32
    %sign3A_13 = arith.subi %sign3A_9, %sign3A_12 : i32
    %ne3A = arith.cmpi ne, %sign3A_6, %sign3A_13 : i32
    %rem3A = arith.remsi %add3A, %jit3A : i32
    %ne3A_14 = arith.constant 0 : i32
    %ne3A_15 = arith.cmpi ne, %rem3A, %ne3A_14 : i32
    %and3A = arith.andi %ne3A, %ne3A_15 : i1
    %sub3A = arith.constant 1 : i32
    %sub3A_16 = arith.subi %div3A, %sub3A : i32
    %select_n3A = arith.select %and3A, %sub3A_16, %div3A : i32
    %mul3A_17 = arith.constant 64 : i32
    %mul3A_18 = arith.muli %add3A, %mul3A_17 : i32
    %mul3A_19 = arith.constant 512 : i32
    %mul3A_20 = arith.muli %select_n3A, %mul3A_19 : i32
    %sub3A_21 = arith.subi %mul3A_18, %mul3A_20 : i32
    "tpu.region"() ({
      %run_scoped3A = tpu.sem_alloc : memref<!tpu.dma_semaphore, #tpu.memory_space<semaphore_mem>>
      tpu.enqueue_dma source(%arg4 : memref<2064xf32, #tpu.memory_space<hbm>>) target(%arg6 : memref<2064xf32, #tpu.memory_space<vmem>>) target_semaphore(%run_scoped3A : memref<!tpu.dma_semaphore, #tpu.memory_space<semaphore_mem>>)
      tpu.wait_dma2 semaphore(%run_scoped3A : memref<!tpu.dma_semaphore, #tpu.memory_space<semaphore_mem>>) src(%arg4 : memref<2064xf32, #tpu.memory_space<hbm>>) dst(%arg6 : memref<2064xf32, #tpu.memory_space<vmem>>)
      tpu.yield
    }) : () -> ()
    %add3A_22 = arith.constant 0 : i32
    %add3A_23 = arith.addi %sub3A_21, %add3A_22 : i32
    "tpu.region"() ({
      %run_scoped3A = tpu.sem_alloc : memref<!tpu.dma_semaphore, #tpu.memory_space<semaphore_mem>>
      %dma_start3A = arith.constant 0 : i32
      %dma_start3A_47 = tpu.memref_slice %arg2[%select_n3A, %add3A_23, %dma_start3A] : memref<4x512x1024xf32, #tpu.memory_space<hbm>> -> memref<1x32x1024xf32, #tpu.memory_space<hbm>>
      %dma_start3A_48 = tpu.memref_squeeze %dma_start3A_47 : memref<1x32x1024xf32, #tpu.memory_space<hbm>> -> memref<32x1024xf32, #tpu.memory_space<hbm>>
      %dma_start3A_49 = arith.constant 0 : i32
      %dma_start3A_50 = tpu.memref_slice %arg2[%select_n3A, %add3A_23, %dma_start3A_49] : memref<4x512x1024xf32, #tpu.memory_space<hbm>> -> memref<1x32x1024xf32, #tpu.memory_space<hbm>>
      %dma_start3A_51 = tpu.memref_squeeze %dma_start3A_50 : memref<1x32x1024xf32, #tpu.memory_space<hbm>> -> memref<32x1024xf32, #tpu.memory_space<hbm>>
      tpu.enqueue_dma source(%dma_start3A_51 : memref<32x1024xf32, #tpu.memory_space<hbm>>) target(%arg7 : memref<32x1024xf32, #tpu.memory_space<vmem>>) target_semaphore(%run_scoped3A : memref<!tpu.dma_semaphore, #tpu.memory_space<semaphore_mem>>)
      %dma_wait3A = arith.constant 0 : i32
      %dma_wait3A_52 = tpu.memref_slice %arg2[%select_n3A, %add3A_23, %dma_wait3A] : memref<4x512x1024xf32, #tpu.memory_space<hbm>> -> memref<1x32x1024xf32, #tpu.memory_space<hbm>>
      %dma_wait3A_53 = tpu.memref_squeeze %dma_wait3A_52 : memref<1x32x1024xf32, #tpu.memory_space<hbm>> -> memref<32x1024xf32, #tpu.memory_space<hbm>>
      %dma_wait3A_54 = arith.constant 0 : i32
      %dma_wait3A_55 = tpu.memref_slice %arg2[%select_n3A, %add3A_23, %dma_wait3A_54] : memref<4x512x1024xf32, #tpu.memory_space<hbm>> -> memref<1x32x1024xf32, #tpu.memory_space<hbm>>
      %dma_wait3A_56 = tpu.memref_squeeze %dma_wait3A_55 : memref<1x32x1024xf32, #tpu.memory_space<hbm>> -> memref<32x1024xf32, #tpu.memory_space<hbm>>
      tpu.wait_dma2 semaphore(%run_scoped3A : memref<!tpu.dma_semaphore, #tpu.memory_space<semaphore_mem>>) src(%dma_wait3A_56 : memref<32x1024xf32, #tpu.memory_space<hbm>>) dst(%arg7 : memref<32x1024xf32, #tpu.memory_space<vmem>>)
      tpu.yield
    }) : () -> ()
    "tpu.region"() ({
      %run_scoped3A = tpu.sem_alloc : memref<!tpu.dma_semaphore, #tpu.memory_space<semaphore_mem>>
      %dma_start3A = arith.constant 0 : i32
      %dma_start3A_47 = tpu.memref_slice %arg3[%select_n3A, %add3A_23, %dma_start3A] : memref<4x512x1024xf32, #tpu.memory_space<hbm>> -> memref<1x32x1024xf32, #tpu.memory_space<hbm>>
      %dma_start3A_48 = tpu.memref_squeeze %dma_start3A_47 : memref<1x32x1024xf32, #tpu.memory_space<hbm>> -> memref<32x1024xf32, #tpu.memory_space<hbm>>
      %dma_start3A_49 = arith.constant 0 : i32
      %dma_start3A_50 = tpu.memref_slice %arg3[%select_n3A, %add3A_23, %dma_start3A_49] : memref<4x512x1024xf32, #tpu.memory_space<hbm>> -> memref<1x32x1024xf32, #tpu.memory_space<hbm>>
      %dma_start3A_51 = tpu.memref_squeeze %dma_start3A_50 : memref<1x32x1024xf32, #tpu.memory_space<hbm>> -> memref<32x1024xf32, #tpu.memory_space<hbm>>
      tpu.enqueue_dma source(%dma_start3A_51 : memref<32x1024xf32, #tpu.memory_space<hbm>>) target(%arg8 : memref<32x1024xf32, #tpu.memory_space<vmem>>) target_semaphore(%run_scoped3A : memref<!tpu.dma_semaphore, #tpu.memory_space<semaphore_mem>>)
      %dma_wait3A = arith.constant 0 : i32
      %dma_wait3A_52 = tpu.memref_slice %arg3[%select_n3A, %add3A_23, %dma_wait3A] : memref<4x512x1024xf32, #tpu.memory_space<hbm>> -> memref<1x32x1024xf32, #tpu.memory_space<hbm>>
      %dma_wait3A_53 = tpu.memref_squeeze %dma_wait3A_52 : memref<1x32x1024xf32, #tpu.memory_space<hbm>> -> memref<32x1024xf32, #tpu.memory_space<hbm>>
      %dma_wait3A_54 = arith.constant 0 : i32
      %dma_wait3A_55 = tpu.memref_slice %arg3[%select_n3A, %add3A_23, %dma_wait3A_54] : memref<4x512x1024xf32, #tpu.memory_space<hbm>> -> memref<1x32x1024xf32, #tpu.memory_space<hbm>>
      %dma_wait3A_56 = tpu.memref_squeeze %dma_wait3A_55 : memref<1x32x1024xf32, #tpu.memory_space<hbm>> -> memref<32x1024xf32, #tpu.memory_space<hbm>>
      tpu.wait_dma2 semaphore(%run_scoped3A : memref<!tpu.dma_semaphore, #tpu.memory_space<semaphore_mem>>) src(%dma_wait3A_56 : memref<32x1024xf32, #tpu.memory_space<hbm>>) dst(%arg8 : memref<32x1024xf32, #tpu.memory_space<vmem>>)
      tpu.yield
    }) : () -> ()
    %iota3A = tpu.iota {dimensions = array<i32: 0>} : vector<16xi32>
    %scan3A = arith.constant 0 : i32
    %scan3A_24 = arith.constant 0 : i32
    %scan3A_25 = arith.constant 2 : i32
    %scan3A_26 = arith.addi %scan3A_24, %scan3A_25 : i32
    %scan3A_27 = arith.constant 1 : i32
    scf.for %scan3A_47 = %scan3A_24 to %scan3A_26 step %scan3A_27  : i32 {
      %broadcast_in_dim3A = arith.constant 0.000000e+00 : f32
      %broadcast_in_dim3A_48 = vector.broadcast %broadcast_in_dim3A : f32 to vector<16xf32>
      %scan3A_49 = arith.constant 0 : i32
      %scan3A_50 = arith.constant 16 : i32
      %scan3A_51 = arith.addi %scan3A_49, %scan3A_50 : i32
      %scan3A_52 = arith.constant 1 : i32
      %scan3A_53 = scf.for %scan3A_60 = %scan3A_49 to %scan3A_51 step %scan3A_52 iter_args(%scan3A_61 = %broadcast_in_dim3A_48) -> (vector<16xf32>)  : i32 {
        %mul3A_62 = arith.constant 16 : i32
        %mul3A_63 = arith.muli %scan3A_47, %mul3A_62 : i32
        %add3A_64 = arith.addi %mul3A_63, %scan3A_60 : i32
        %broadcast_in_dim3A_65 = arith.constant 0.000000e+00 : f32
        %broadcast_in_dim3A_66 = vector.broadcast %broadcast_in_dim3A_65 : f32 to vector<16xf32>
        %scan3A_67 = arith.constant 0 : i32
        %scan3A_68 = arith.constant 16 : i32
        %scan3A_69 = arith.addi %scan3A_67, %scan3A_68 : i32
        %scan3A_70 = arith.constant 1 : i32
        %scan3A_71 = scf.for %scan3A_79 = %scan3A_67 to %scan3A_69 step %scan3A_70 iter_args(%scan3A_80 = %broadcast_in_dim3A_66) -> (vector<16xf32>)  : i32 {
          %mul3A_81 = arith.constant 64 : i32
          %mul3A_82 = arith.muli %scan3A_79, %mul3A_81 : i32
          %add3A_83 = arith.constant 0 : i32
          %add3A_84 = arith.addi %mul3A_82, %add3A_83 : i32
          %get3A_85 = arith.index_cast %add3A_64 : i32 to index
          %get3A_86 = arith.index_cast %add3A_84 : i32 to index
          %get3A_87 = tpu.vector_load %arg7[%get3A_85, %get3A_86] {strides = array<i32>} : memref<32x1024xf32, #tpu.memory_space<vmem>>, vector<16xf32>,
          %add3A_88 = arith.constant 0 : i32
          %add3A_89 = arith.addi %mul3A_82, %add3A_88 : i32
          %get3A_90 = arith.index_cast %add3A_89 : i32 to index
          %get3A_91 = tpu.vector_load %arg6[%get3A_90] {strides = array<i32>} : memref<2064xf32, #tpu.memory_space<vmem>>, vector<16xf32>,
          %mul3A_92 = arith.mulf %get3A_87, %get3A_91 : vector<16xf32>
          %add3A_93 = arith.addf %scan3A_80, %mul3A_92 : vector<16xf32>
          %add3A_94 = arith.constant 0 : i32
          %add3A_95 = arith.addi %mul3A_82, %add3A_94 : i32
          %get3A_96 = arith.index_cast %add3A_64 : i32 to index
          %get3A_97 = arith.index_cast %add3A_95 : i32 to index
          %get3A_98 = tpu.vector_load %arg8[%get3A_96, %get3A_97] {strides = array<i32>} : memref<32x1024xf32, #tpu.memory_space<vmem>>, vector<16xf32>,
          %add3A_99 = arith.constant 1024 : i32
          %add3A_100 = arith.addi %add3A_99, %mul3A_82 : i32
          %add3A_101 = arith.constant 0 : i32
          %add3A_102 = arith.addi %add3A_100, %add3A_101 : i32
          %get3A_103 = arith.index_cast %add3A_102 : i32 to index
          %get3A_104 = tpu.vector_load %arg6[%get3A_103] {strides = array<i32>} : memref<2064xf32, #tpu.memory_space<vmem>>, vector<16xf32>,
          %mul3A_105 = arith.mulf %get3A_98, %get3A_104 : vector<16xf32>
          %add3A_106 = arith.addf %add3A_93, %mul3A_105 : vector<16xf32>
          %add3A_107 = arith.constant 16 : i32
          %add3A_108 = arith.addi %mul3A_82, %add3A_107 : i32
          %get3A_109 = arith.index_cast %add3A_64 : i32 to index
          %get3A_110 = arith.index_cast %add3A_108 : i32 to index
          %get3A_111 = tpu.vector_load %arg7[%get3A_109, %get3A_110] {strides = array<i32>} : memref<32x1024xf32, #tpu.memory_space<vmem>>, vector<16xf32>,
          %add3A_112 = arith.constant 16 : i32
          %add3A_113 = arith.addi %mul3A_82, %add3A_112 : i32
          %get3A_114 = arith.index_cast %add3A_113 : i32 to index
          %get3A_115 = tpu.vector_load %arg6[%get3A_114] {strides = array<i32>} : memref<2064xf32, #tpu.memory_space<vmem>>, vector<16xf32>,
          %mul3A_116 = arith.mulf %get3A_111, %get3A_115 : vector<16xf32>
          %add3A_117 = arith.addf %add3A_106, %mul3A_116 : vector<16xf32>
          %add3A_118 = arith.constant 16 : i32
          %add3A_119 = arith.addi %mul3A_82, %add3A_118 : i32
          %get3A_120 = arith.index_cast %add3A_64 : i32 to index
          %get3A_121 = arith.index_cast %add3A_119 : i32 to index
          %get3A_122 = tpu.vector_load %arg8[%get3A_120, %get3A_121] {strides = array<i32>} : memref<32x1024xf32, #tpu.memory_space<vmem>>, vector<16xf32>,
          %add3A_123 = arith.constant 1024 : i32
          %add3A_124 = arith.addi %add3A_123, %mul3A_82 : i32
          %add3A_125 = arith.constant 16 : i32
          %add3A_126 = arith.addi %add3A_124, %add3A_125 : i32
          %get3A_127 = arith.index_cast %add3A_126 : i32 to index
          %get3A_128 = tpu.vector_load %arg6[%get3A_127] {strides = array<i32>} : memref<2064xf32, #tpu.memory_space<vmem>>, vector<16xf32>,
          %mul3A_129 = arith.mulf %get3A_122, %get3A_128 : vector<16xf32>
          %add3A_130 = arith.addf %add3A_117, %mul3A_129 : vector<16xf32>
          %add3A_131 = arith.constant 32 : i32
          %add3A_132 = arith.addi %mul3A_82, %add3A_131 : i32
          %get3A_133 = arith.index_cast %add3A_64 : i32 to index
          %get3A_134 = arith.index_cast %add3A_132 : i32 to index
          %get3A_135 = tpu.vector_load %arg7[%get3A_133, %get3A_134] {strides = array<i32>} : memref<32x1024xf32, #tpu.memory_space<vmem>>, vector<16xf32>,
          %add3A_136 = arith.constant 32 : i32
          %add3A_137 = arith.addi %mul3A_82, %add3A_136 : i32
          %get3A_138 = arith.index_cast %add3A_137 : i32 to index
          %get3A_139 = tpu.vector_load %arg6[%get3A_138] {strides = array<i32>} : memref<2064xf32, #tpu.memory_space<vmem>>, vector<16xf32>,
          %mul3A_140 = arith.mulf %get3A_135, %get3A_139 : vector<16xf32>
          %add3A_141 = arith.addf %add3A_130, %mul3A_140 : vector<16xf32>
          %add3A_142 = arith.constant 32 : i32
          %add3A_143 = arith.addi %mul3A_82, %add3A_142 : i32
          %get3A_144 = arith.index_cast %add3A_64 : i32 to index
          %get3A_145 = arith.index_cast %add3A_143 : i32 to index
          %get3A_146 = tpu.vector_load %arg8[%get3A_144, %get3A_145] {strides = array<i32>} : memref<32x1024xf32, #tpu.memory_space<vmem>>, vector<16xf32>,
          %add3A_147 = arith.constant 1024 : i32
          %add3A_148 = arith.addi %add3A_147, %mul3A_82 : i32
          %add3A_149 = arith.constant 32 : i32
          %add3A_150 = arith.addi %add3A_148, %add3A_149 : i32
          %get3A_151 = arith.index_cast %add3A_150 : i32 to index
          %get3A_152 = tpu.vector_load %arg6[%get3A_151] {strides = array<i32>} : memref<2064xf32, #tpu.memory_space<vmem>>, vector<16xf32>,
          %mul3A_153 = arith.mulf %get3A_146, %get3A_152 : vector<16xf32>
          %add3A_154 = arith.addf %add3A_141, %mul3A_153 : vector<16xf32>
          %add3A_155 = arith.constant 48 : i32
          %add3A_156 = arith.addi %mul3A_82, %add3A_155 : i32
          %get3A_157 = arith.index_cast %add3A_64 : i32 to index
          %get3A_158 = arith.index_cast %add3A_156 : i32 to index
          %get3A_159 = tpu.vector_load %arg7[%get3A_157, %get3A_158] {strides = array<i32>} : memref<32x1024xf32, #tpu.memory_space<vmem>>, vector<16xf32>,
          %add3A_160 = arith.constant 48 : i32
          %add3A_161 = arith.addi %mul3A_82, %add3A_160 : i32
          %get3A_162 = arith.index_cast %add3A_161 : i32 to index
          %get3A_163 = tpu.vector_load %arg6[%get3A_162] {strides = array<i32>} : memref<2064xf32, #tpu.memory_space<vmem>>, vector<16xf32>,
          %mul3A_164 = arith.mulf %get3A_159, %get3A_163 : vector<16xf32>
          %add3A_165 = arith.addf %add3A_154, %mul3A_164 : vector<16xf32>
          %add3A_166 = arith.constant 48 : i32
          %add3A_167 = arith.addi %mul3A_82, %add3A_166 : i32
          %get3A_168 = arith.index_cast %add3A_64 : i32 to index
          %get3A_169 = arith.index_cast %add3A_167 : i32 to index
          %get3A_170 = tpu.vector_load %arg8[%get3A_168, %get3A_169] {strides = array<i32>} : memref<32x1024xf32, #tpu.memory_space<vmem>>, vector<16xf32>,
          %add3A_171 = arith.constant 1024 : i32
          %add3A_172 = arith.addi %add3A_171, %mul3A_82 : i32
          %add3A_173 = arith.constant 48 : i32
          %add3A_174 = arith.addi %add3A_172, %add3A_173 : i32
          %get3A_175 = arith.index_cast %add3A_174 : i32 to index
          %get3A_176 = tpu.vector_load %arg6[%get3A_175] {strides = array<i32>} : memref<2064xf32, #tpu.memory_space<vmem>>, vector<16xf32>,
          %mul3A_177 = arith.mulf %get3A_170, %get3A_176 : vector<16xf32>
          %add3A_178 = arith.addf %add3A_165, %mul3A_177 : vector<16xf32>
          scf.yield %add3A_178 : vector<16xf32>
        }
        %scan3A_72 = arith.constant 16 : i32
        %eq3A = vector.broadcast %scan3A_60 : i32 to vector<16xi32>
        %eq3A_73 = arith.cmpi eq, %iota3A, %eq3A : vector<16xi32>
        %reduce_sum3A = arith.constant true
        %reduce_sum3A_74 = vector.broadcast %reduce_sum3A : i1 to vector<16xi1>
        %reduce_sum3A_75 = tpu.scan <sum>, %scan3A_71 masked %reduce_sum3A_74 : vector<16xf32>, vector<16xi1> -> vector<16xf32>
        %reduce_sum3A_76 = vector.extract %reduce_sum3A_75[15] : f32 from vector<16xf32>
        %broadcast_in_dim3A_77 = vector.broadcast %reduce_sum3A_76 : f32 to vector<16xf32>
        %select_n3A_78 = arith.select %eq3A_73, %broadcast_in_dim3A_77, %scan3A_61 : vector<16xi1>, vector<16xf32>
        scf.yield %select_n3A_78 : vector<16xf32>
      }
      %scan3A_54 = arith.constant 16 : i32
      %mul3A_55 = arith.constant 16 : i32
      %mul3A_56 = arith.muli %scan3A_47, %mul3A_55 : i32
      %add3A_57 = arith.constant 0 : i32
      %add3A_58 = arith.addi %add3A_57, %mul3A_56 : i32
      %swap3A = arith.index_cast %add3A_58 : i32 to index
      %swap3A_59 = tpu.vector_load %arg9[%swap3A] {strides = array<i32>} : memref<64xf32, #tpu.memory_space<vmem>>, vector<16xf32>,
      tpu.vector_store %arg9[%swap3A], %scan3A_53 {strides = array<i32>} : memref<64xf32, #tpu.memory_space<vmem>>, vector<16xf32>,
    }
    %scan3A_28 = arith.constant 2 : i32
    %add3A_29 = arith.constant 32 : i32
    %add3A_30 = arith.addi %sub3A_21, %add3A_29 : i32
    "tpu.region"() ({
      %run_scoped3A = tpu.sem_alloc : memref<!tpu.dma_semaphore, #tpu.memory_space<semaphore_mem>>
      %dma_start3A = arith.constant 0 : i32
      %dma_start3A_47 = tpu.memref_slice %arg2[%select_n3A, %add3A_30, %dma_start3A] : memref<4x512x1024xf32, #tpu.memory_space<hbm>> -> memref<1x32x1024xf32, #tpu.memory_space<hbm>>
      %dma_start3A_48 = tpu.memref_squeeze %dma_start3A_47 : memref<1x32x1024xf32, #tpu.memory_space<hbm>> -> memref<32x1024xf32, #tpu.memory_space<hbm>>
      %dma_start3A_49 = arith.constant 0 : i32
      %dma_start3A_50 = tpu.memref_slice %arg2[%select_n3A, %add3A_30, %dma_start3A_49] : memref<4x512x1024xf32, #tpu.memory_space<hbm>> -> memref<1x32x1024xf32, #tpu.memory_space<hbm>>
      %dma_start3A_51 = tpu.memref_squeeze %dma_start3A_50 : memref<1x32x1024xf32, #tpu.memory_space<hbm>> -> memref<32x1024xf32, #tpu.memory_space<hbm>>
      tpu.enqueue_dma source(%dma_start3A_51 : memref<32x1024xf32, #tpu.memory_space<hbm>>) target(%arg7 : memref<32x1024xf32, #tpu.memory_space<vmem>>) target_semaphore(%run_scoped3A : memref<!tpu.dma_semaphore, #tpu.memory_space<semaphore_mem>>)
      %dma_wait3A = arith.constant 0 : i32
      %dma_wait3A_52 = tpu.memref_slice %arg2[%select_n3A, %add3A_30, %dma_wait3A] : memref<4x512x1024xf32, #tpu.memory_space<hbm>> -> memref<1x32x1024xf32, #tpu.memory_space<hbm>>
      %dma_wait3A_53 = tpu.memref_squeeze %dma_wait3A_52 : memref<1x32x1024xf32, #tpu.memory_space<hbm>> -> memref<32x1024xf32, #tpu.memory_space<hbm>>
      %dma_wait3A_54 = arith.constant 0 : i32
      %dma_wait3A_55 = tpu.memref_slice %arg2[%select_n3A, %add3A_30, %dma_wait3A_54] : memref<4x512x1024xf32, #tpu.memory_space<hbm>> -> memref<1x32x1024xf32, #tpu.memory_space<hbm>>
      %dma_wait3A_56 = tpu.memref_squeeze %dma_wait3A_55 : memref<1x32x1024xf32, #tpu.memory_space<hbm>> -> memref<32x1024xf32, #tpu.memory_space<hbm>>
      tpu.wait_dma2 semaphore(%run_scoped3A : memref<!tpu.dma_semaphore, #tpu.memory_space<semaphore_mem>>) src(%dma_wait3A_56 : memref<32x1024xf32, #tpu.memory_space<hbm>>) dst(%arg7 : memref<32x1024xf32, #tpu.memory_space<vmem>>)
      tpu.yield
    }) : () -> ()
    "tpu.region"() ({
      %run_scoped3A = tpu.sem_alloc : memref<!tpu.dma_semaphore, #tpu.memory_space<semaphore_mem>>
      %dma_start3A = arith.constant 0 : i32
      %dma_start3A_47 = tpu.memref_slice %arg3[%select_n3A, %add3A_30, %dma_start3A] : memref<4x512x1024xf32, #tpu.memory_space<hbm>> -> memref<1x32x1024xf32, #tpu.memory_space<hbm>>
      %dma_start3A_48 = tpu.memref_squeeze %dma_start3A_47 : memref<1x32x1024xf32, #tpu.memory_space<hbm>> -> memref<32x1024xf32, #tpu.memory_space<hbm>>
      %dma_start3A_49 = arith.constant 0 : i32
      %dma_start3A_50 = tpu.memref_slice %arg3[%select_n3A, %add3A_30, %dma_start3A_49] : memref<4x512x1024xf32, #tpu.memory_space<hbm>> -> memref<1x32x1024xf32, #tpu.memory_space<hbm>>
      %dma_start3A_51 = tpu.memref_squeeze %dma_start3A_50 : memref<1x32x1024xf32, #tpu.memory_space<hbm>> -> memref<32x1024xf32, #tpu.memory_space<hbm>>
      tpu.enqueue_dma source(%dma_start3A_51 : memref<32x1024xf32, #tpu.memory_space<hbm>>) target(%arg8 : memref<32x1024xf32, #tpu.memory_space<vmem>>) target_semaphore(%run_scoped3A : memref<!tpu.dma_semaphore, #tpu.memory_space<semaphore_mem>>)
      %dma_wait3A = arith.constant 0 : i32
      %dma_wait3A_52 = tpu.memref_slice %arg3[%select_n3A, %add3A_30, %dma_wait3A] : memref<4x512x1024xf32, #tpu.memory_space<hbm>> -> memref<1x32x1024xf32, #tpu.memory_space<hbm>>
      %dma_wait3A_53 = tpu.memref_squeeze %dma_wait3A_52 : memref<1x32x1024xf32, #tpu.memory_space<hbm>> -> memref<32x1024xf32, #tpu.memory_space<hbm>>
      %dma_wait3A_54 = arith.constant 0 : i32
      %dma_wait3A_55 = tpu.memref_slice %arg3[%select_n3A, %add3A_30, %dma_wait3A_54] : memref<4x512x1024xf32, #tpu.memory_space<hbm>> -> memref<1x32x1024xf32, #tpu.memory_space<hbm>>
      %dma_wait3A_56 = tpu.memref_squeeze %dma_wait3A_55 : memref<1x32x1024xf32, #tpu.memory_space<hbm>> -> memref<32x1024xf32, #tpu.memory_space<hbm>>
      tpu.wait_dma2 semaphore(%run_scoped3A : memref<!tpu.dma_semaphore, #tpu.memory_space<semaphore_mem>>) src(%dma_wait3A_56 : memref<32x1024xf32, #tpu.memory_space<hbm>>) dst(%arg8 : memref<32x1024xf32, #tpu.memory_space<vmem>>)
      tpu.yield
    }) : () -> ()
    %iota3A_31 = tpu.iota {dimensions = array<i32: 0>} : vector<16xi32>
    %scan3A_32 = arith.constant 0 : i32
    %scan3A_33 = arith.constant 0 : i32
    %scan3A_34 = arith.constant 2 : i32
    %scan3A_35 = arith.addi %scan3A_33, %scan3A_34 : i32
    %scan3A_36 = arith.constant 1 : i32
    scf.for %scan3A_47 = %scan3A_33 to %scan3A_35 step %scan3A_36  : i32 {
      %broadcast_in_dim3A = arith.constant 0.000000e+00 : f32
      %broadcast_in_dim3A_48 = vector.broadcast %broadcast_in_dim3A : f32 to vector<16xf32>
      %scan3A_49 = arith.constant 0 : i32
      %scan3A_50 = arith.constant 16 : i32
      %scan3A_51 = arith.addi %scan3A_49, %scan3A_50 : i32
      %scan3A_52 = arith.constant 1 : i32
      %scan3A_53 = scf.for %scan3A_60 = %scan3A_49 to %scan3A_51 step %scan3A_52 iter_args(%scan3A_61 = %broadcast_in_dim3A_48) -> (vector<16xf32>)  : i32 {
        %mul3A_62 = arith.constant 16 : i32
        %mul3A_63 = arith.muli %scan3A_47, %mul3A_62 : i32
        %add3A_64 = arith.addi %mul3A_63, %scan3A_60 : i32
        %broadcast_in_dim3A_65 = arith.constant 0.000000e+00 : f32
        %broadcast_in_dim3A_66 = vector.broadcast %broadcast_in_dim3A_65 : f32 to vector<16xf32>
        %scan3A_67 = arith.constant 0 : i32
        %scan3A_68 = arith.constant 16 : i32
        %scan3A_69 = arith.addi %scan3A_67, %scan3A_68 : i32
        %scan3A_70 = arith.constant 1 : i32
        %scan3A_71 = scf.for %scan3A_79 = %scan3A_67 to %scan3A_69 step %scan3A_70 iter_args(%scan3A_80 = %broadcast_in_dim3A_66) -> (vector<16xf32>)  : i32 {
          %mul3A_81 = arith.constant 64 : i32
          %mul3A_82 = arith.muli %scan3A_79, %mul3A_81 : i32
          %add3A_83 = arith.constant 0 : i32
          %add3A_84 = arith.addi %mul3A_82, %add3A_83 : i32
          %get3A_85 = arith.index_cast %add3A_64 : i32 to index
          %get3A_86 = arith.index_cast %add3A_84 : i32 to index
          %get3A_87 = tpu.vector_load %arg7[%get3A_85, %get3A_86] {strides = array<i32>} : memref<32x1024xf32, #tpu.memory_space<vmem>>, vector<16xf32>,
          %add3A_88 = arith.constant 0 : i32
          %add3A_89 = arith.addi %mul3A_82, %add3A_88 : i32
          %get3A_90 = arith.index_cast %add3A_89 : i32 to index
          %get3A_91 = tpu.vector_load %arg6[%get3A_90] {strides = array<i32>} : memref<2064xf32, #tpu.memory_space<vmem>>, vector<16xf32>,
          %mul3A_92 = arith.mulf %get3A_87, %get3A_91 : vector<16xf32>
          %add3A_93 = arith.addf %scan3A_80, %mul3A_92 : vector<16xf32>
          %add3A_94 = arith.constant 0 : i32
          %add3A_95 = arith.addi %mul3A_82, %add3A_94 : i32
          %get3A_96 = arith.index_cast %add3A_64 : i32 to index
          %get3A_97 = arith.index_cast %add3A_95 : i32 to index
          %get3A_98 = tpu.vector_load %arg8[%get3A_96, %get3A_97] {strides = array<i32>} : memref<32x1024xf32, #tpu.memory_space<vmem>>, vector<16xf32>,
          %add3A_99 = arith.constant 1024 : i32
          %add3A_100 = arith.addi %add3A_99, %mul3A_82 : i32
          %add3A_101 = arith.constant 0 : i32
          %add3A_102 = arith.addi %add3A_100, %add3A_101 : i32
          %get3A_103 = arith.index_cast %add3A_102 : i32 to index
          %get3A_104 = tpu.vector_load %arg6[%get3A_103] {strides = array<i32>} : memref<2064xf32, #tpu.memory_space<vmem>>, vector<16xf32>,
          %mul3A_105 = arith.mulf %get3A_98, %get3A_104 : vector<16xf32>
          %add3A_106 = arith.addf %add3A_93, %mul3A_105 : vector<16xf32>
          %add3A_107 = arith.constant 16 : i32
          %add3A_108 = arith.addi %mul3A_82, %add3A_107 : i32
          %get3A_109 = arith.index_cast %add3A_64 : i32 to index
          %get3A_110 = arith.index_cast %add3A_108 : i32 to index
          %get3A_111 = tpu.vector_load %arg7[%get3A_109, %get3A_110] {strides = array<i32>} : memref<32x1024xf32, #tpu.memory_space<vmem>>, vector<16xf32>,
          %add3A_112 = arith.constant 16 : i32
          %add3A_113 = arith.addi %mul3A_82, %add3A_112 : i32
          %get3A_114 = arith.index_cast %add3A_113 : i32 to index
          %get3A_115 = tpu.vector_load %arg6[%get3A_114] {strides = array<i32>} : memref<2064xf32, #tpu.memory_space<vmem>>, vector<16xf32>,
          %mul3A_116 = arith.mulf %get3A_111, %get3A_115 : vector<16xf32>
          %add3A_117 = arith.addf %add3A_106, %mul3A_116 : vector<16xf32>
          %add3A_118 = arith.constant 16 : i32
          %add3A_119 = arith.addi %mul3A_82, %add3A_118 : i32
          %get3A_120 = arith.index_cast %add3A_64 : i32 to index
          %get3A_121 = arith.index_cast %add3A_119 : i32 to index
          %get3A_122 = tpu.vector_load %arg8[%get3A_120, %get3A_121] {strides = array<i32>} : memref<32x1024xf32, #tpu.memory_space<vmem>>, vector<16xf32>,
          %add3A_123 = arith.constant 1024 : i32
          %add3A_124 = arith.addi %add3A_123, %mul3A_82 : i32
          %add3A_125 = arith.constant 16 : i32
          %add3A_126 = arith.addi %add3A_124, %add3A_125 : i32
          %get3A_127 = arith.index_cast %add3A_126 : i32 to index
          %get3A_128 = tpu.vector_load %arg6[%get3A_127] {strides = array<i32>} : memref<2064xf32, #tpu.memory_space<vmem>>, vector<16xf32>,
          %mul3A_129 = arith.mulf %get3A_122, %get3A_128 : vector<16xf32>
          %add3A_130 = arith.addf %add3A_117, %mul3A_129 : vector<16xf32>
          %add3A_131 = arith.constant 32 : i32
          %add3A_132 = arith.addi %mul3A_82, %add3A_131 : i32
          %get3A_133 = arith.index_cast %add3A_64 : i32 to index
          %get3A_134 = arith.index_cast %add3A_132 : i32 to index
          %get3A_135 = tpu.vector_load %arg7[%get3A_133, %get3A_134] {strides = array<i32>} : memref<32x1024xf32, #tpu.memory_space<vmem>>, vector<16xf32>,
          %add3A_136 = arith.constant 32 : i32
          %add3A_137 = arith.addi %mul3A_82, %add3A_136 : i32
          %get3A_138 = arith.index_cast %add3A_137 : i32 to index
          %get3A_139 = tpu.vector_load %arg6[%get3A_138] {strides = array<i32>} : memref<2064xf32, #tpu.memory_space<vmem>>, vector<16xf32>,
          %mul3A_140 = arith.mulf %get3A_135, %get3A_139 : vector<16xf32>
          %add3A_141 = arith.addf %add3A_130, %mul3A_140 : vector<16xf32>
          %add3A_142 = arith.constant 32 : i32
          %add3A_143 = arith.addi %mul3A_82, %add3A_142 : i32
          %get3A_144 = arith.index_cast %add3A_64 : i32 to index
          %get3A_145 = arith.index_cast %add3A_143 : i32 to index
          %get3A_146 = tpu.vector_load %arg8[%get3A_144, %get3A_145] {strides = array<i32>} : memref<32x1024xf32, #tpu.memory_space<vmem>>, vector<16xf32>,
          %add3A_147 = arith.constant 1024 : i32
          %add3A_148 = arith.addi %add3A_147, %mul3A_82 : i32
          %add3A_149 = arith.constant 32 : i32
          %add3A_150 = arith.addi %add3A_148, %add3A_149 : i32
          %get3A_151 = arith.index_cast %add3A_150 : i32 to index
          %get3A_152 = tpu.vector_load %arg6[%get3A_151] {strides = array<i32>} : memref<2064xf32, #tpu.memory_space<vmem>>, vector<16xf32>,
          %mul3A_153 = arith.mulf %get3A_146, %get3A_152 : vector<16xf32>
          %add3A_154 = arith.addf %add3A_141, %mul3A_153 : vector<16xf32>
          %add3A_155 = arith.constant 48 : i32
          %add3A_156 = arith.addi %mul3A_82, %add3A_155 : i32
          %get3A_157 = arith.index_cast %add3A_64 : i32 to index
          %get3A_158 = arith.index_cast %add3A_156 : i32 to index
          %get3A_159 = tpu.vector_load %arg7[%get3A_157, %get3A_158] {strides = array<i32>} : memref<32x1024xf32, #tpu.memory_space<vmem>>, vector<16xf32>,
          %add3A_160 = arith.constant 48 : i32
          %add3A_161 = arith.addi %mul3A_82, %add3A_160 : i32
          %get3A_162 = arith.index_cast %add3A_161 : i32 to index
          %get3A_163 = tpu.vector_load %arg6[%get3A_162] {strides = array<i32>} : memref<2064xf32, #tpu.memory_space<vmem>>, vector<16xf32>,
          %mul3A_164 = arith.mulf %get3A_159, %get3A_163 : vector<16xf32>
          %add3A_165 = arith.addf %add3A_154, %mul3A_164 : vector<16xf32>
          %add3A_166 = arith.constant 48 : i32
          %add3A_167 = arith.addi %mul3A_82, %add3A_166 : i32
          %get3A_168 = arith.index_cast %add3A_64 : i32 to index
          %get3A_169 = arith.index_cast %add3A_167 : i32 to index
          %get3A_170 = tpu.vector_load %arg8[%get3A_168, %get3A_169] {strides = array<i32>} : memref<32x1024xf32, #tpu.memory_space<vmem>>, vector<16xf32>,
          %add3A_171 = arith.constant 1024 : i32
          %add3A_172 = arith.addi %add3A_171, %mul3A_82 : i32
          %add3A_173 = arith.constant 48 : i32
          %add3A_174 = arith.addi %add3A_172, %add3A_173 : i32
          %get3A_175 = arith.index_cast %add3A_174 : i32 to index
          %get3A_176 = tpu.vector_load %arg6[%get3A_175] {strides = array<i32>} : memref<2064xf32, #tpu.memory_space<vmem>>, vector<16xf32>,
          %mul3A_177 = arith.mulf %get3A_170, %get3A_176 : vector<16xf32>
          %add3A_178 = arith.addf %add3A_165, %mul3A_177 : vector<16xf32>
          scf.yield %add3A_178 : vector<16xf32>
        }
        %scan3A_72 = arith.constant 16 : i32
        %eq3A = vector.broadcast %scan3A_60 : i32 to vector<16xi32>
        %eq3A_73 = arith.cmpi eq, %iota3A_31, %eq3A : vector<16xi32>
        %reduce_sum3A = arith.constant true
        %reduce_sum3A_74 = vector.broadcast %reduce_sum3A : i1 to vector<16xi1>
        %reduce_sum3A_75 = tpu.scan <sum>, %scan3A_71 masked %reduce_sum3A_74 : vector<16xf32>, vector<16xi1> -> vector<16xf32>
        %reduce_sum3A_76 = vector.extract %reduce_sum3A_75[15] : f32 from vector<16xf32>
        %broadcast_in_dim3A_77 = vector.broadcast %reduce_sum3A_76 : f32 to vector<16xf32>
        %select_n3A_78 = arith.select %eq3A_73, %broadcast_in_dim3A_77, %scan3A_61 : vector<16xi1>, vector<16xf32>
        scf.yield %select_n3A_78 : vector<16xf32>
      }
      %scan3A_54 = arith.constant 16 : i32
      %mul3A_55 = arith.constant 16 : i32
      %mul3A_56 = arith.muli %scan3A_47, %mul3A_55 : i32
      %add3A_57 = arith.constant 32 : i32
      %add3A_58 = arith.addi %add3A_57, %mul3A_56 : i32
      %swap3A = arith.index_cast %add3A_58 : i32 to index
      %swap3A_59 = tpu.vector_load %arg9[%swap3A] {strides = array<i32>} : memref<64xf32, #tpu.memory_space<vmem>>, vector<16xf32>,
      tpu.vector_store %arg9[%swap3A], %scan3A_53 {strides = array<i32>} : memref<64xf32, #tpu.memory_space<vmem>>, vector<16xf32>,
    }
    %scan3A_37 = arith.constant 2 : i32
    %get3A = arith.constant 2048 : index
    %get3A_38 = tpu.vector_load %arg6[%get3A] {strides = array<i32>} : memref<2064xf32, #tpu.memory_space<vmem>>, vector<16xf32>,
    %scan3A_39 = arith.constant 0 : i32
    %scan3A_40 = arith.constant 0 : i32
    %scan3A_41 = arith.constant 4 : i32
    %scan3A_42 = arith.addi %scan3A_40, %scan3A_41 : i32
    %scan3A_43 = arith.constant 1 : i32
    scf.for %scan3A_47 = %scan3A_40 to %scan3A_42 step %scan3A_43  : i32 {
      %mul3A_48 = arith.constant 16 : i32
      %mul3A_49 = arith.muli %scan3A_47, %mul3A_48 : i32
      %get3A_50 = arith.index_cast %mul3A_49 : i32 to index
      %get3A_51 = tpu.vector_load %arg9[%get3A_50] {strides = array<i32>} : memref<64xf32, #tpu.memory_space<vmem>>, vector<16xf32>,
      %add3A_52 = arith.addf %get3A_51, %get3A_38 : vector<16xf32>
      %neg3A = arith.constant 0.000000e+00 : f32
      %neg3A_53 = vector.broadcast %neg3A : f32 to vector<16xf32>
      %neg3A_54 = arith.subf %neg3A_53, %add3A_52 : vector<16xf32>
      %exp3A = math.exp %neg3A_54 : vector<16xf32>
      %add3A_55 = arith.constant 1.000000e+00 : f32
      %add3A_56 = vector.broadcast %add3A_55 : f32 to vector<16xf32>
      %add3A_57 = arith.addf %add3A_56, %exp3A : vector<16xf32>
      %div3A_58 = arith.constant 1.000000e+00 : f32
      %div3A_59 = vector.broadcast %div3A_58 : f32 to vector<16xf32>
      %div3A_60 = arith.divf %div3A_59, %add3A_57 : vector<16xf32>
      %mul3A_61 = arith.constant 16 : i32
      %mul3A_62 = arith.muli %scan3A_47, %mul3A_61 : i32
      %swap3A = arith.index_cast %mul3A_62 : i32 to index
      %swap3A_63 = tpu.vector_load %arg9[%swap3A] {strides = array<i32>} : memref<64xf32, #tpu.memory_space<vmem>>, vector<16xf32>,
      tpu.vector_store %arg9[%swap3A], %div3A_60 {strides = array<i32>} : memref<64xf32, #tpu.memory_space<vmem>>, vector<16xf32>,
    }
    %scan3A_44 = arith.constant 4 : i32
    %mul3A_45 = arith.constant 64 : i32
    %mul3A_46 = arith.muli %add3A, %mul3A_45 : i32
    "tpu.region"() ({
      %run_scoped3A = tpu.sem_alloc : memref<!tpu.dma_semaphore, #tpu.memory_space<semaphore_mem>>
      %dma_start3A = tpu.memref_slice %arg5[%mul3A_46] : memref<2048xf32, #tpu.memory_space<hbm>> -> memref<64xf32, #tpu.memory_space<hbm>>
      %dma_start3A_47 = tpu.memref_slice %arg5[%mul3A_46] : memref<2048xf32, #tpu.memory_space<hbm>> -> memref<64xf32, #tpu.memory_space<hbm>>
      tpu.enqueue_dma source(%arg9 : memref<64xf32, #tpu.memory_space<vmem>>) target(%dma_start3A_47 : memref<64xf32, #tpu.memory_space<hbm>>) target_semaphore(%run_scoped3A : memref<!tpu.dma_semaphore, #tpu.memory_space<semaphore_mem>>)
      %dma_wait3A = tpu.memref_slice %arg5[%mul3A_46] : memref<2048xf32, #tpu.memory_space<hbm>> -> memref<64xf32, #tpu.memory_space<hbm>>
      %dma_wait3A_48 = tpu.memref_slice %arg5[%mul3A_46] : memref<2048xf32, #tpu.memory_space<hbm>> -> memref<64xf32, #tpu.memory_space<hbm>>
      tpu.wait_dma2 semaphore(%run_scoped3A : memref<!tpu.dma_semaphore, #tpu.memory_space<semaphore_mem>>) src(%arg9 : memref<64xf32, #tpu.memory_space<vmem>>) dst(%dma_wait3A_48 : memref<64xf32, #tpu.memory_space<hbm>>)
      tpu.yield
    }) : () -> ()
    return
  }
}

module attributes {stable_mosaic.version = 14 : i64} {
  func.func @_logits_body(%arg0: i32, %arg1: memref<4x1x512xi32, #tpu.memory_space<vmem>>, %arg2: memref<4x512x512xbf16, #tpu.memory_space<vmem>>, %arg3: memref<1024x4x512xf32, #tpu.memory_space<vmem>>) attributes {dimension_semantics = [#tpu.dimension_semantics<parallel>], iteration_bounds = array<i64: 32>, scalar_prefetch = 0 : i64, scratch_operands = 0 : i64, tpu.core_type = #tpu.core_type<tc>, window_params = [{pipeline_mode = #tpu.pipeline_mode<synchronous>, transform_indices = @transform_0, window_bounds = array<i64: 4, 1, 512>}, {pipeline_mode = #tpu.pipeline_mode<synchronous>, transform_indices = @transform_1, window_bounds = array<i64: 4, 512, 512>}, {transform_indices = @transform_2, window_bounds = array<i64: 1024, 4, 512>}]} {
    %iota3A = tpu.iota {dimensions = array<i32: 0>} : vector<1024x512xi32>
    %mul3A = arith.constant 1024 : i32
    %mul3A_0 = arith.muli %arg0, %mul3A : i32
    %add3A = vector.broadcast %mul3A_0 : i32 to vector<1024x512xi32>
    %add3A_1 = arith.addi %iota3A, %add3A : vector<1024x512xi32>
    %get3A = arith.constant 0 : index
    %get3A_2 = arith.constant 0 : index
    %get3A_3 = arith.constant 0 : index
    %get3A_4 = vector.load %arg1[%get3A, %get3A_2, %get3A_3] : memref<4x1x512xi32, #tpu.memory_space<vmem>>, vector<1x1x512xi32>
    %get3A_5 = vector.shape_cast %get3A_4 : vector<1x1x512xi32> to vector<512xi32>
    %broadcast_in_dim3A = vector.shape_cast %get3A_5 : vector<512xi32> to vector<1x512xi32>
    %eq3A = vector.broadcast %broadcast_in_dim3A : vector<1x512xi32> to vector<1024x512xi32>
    %eq3A_6 = arith.cmpi eq, %add3A_1, %eq3A : vector<1024x512xi32>
    %convert_element_type3A = arith.extui %eq3A_6 : vector<1024x512xi1> to vector<1024x512xi32>
    %convert_element_type3A_7 = arith.sitofp %convert_element_type3A : vector<1024x512xi32> to vector<1024x512xf32>
    %convert_element_type3A_8 = arith.truncf %convert_element_type3A_7 : vector<1024x512xf32> to vector<1024x512xbf16>
    %get3A_9 = arith.constant 0 : index
    %get3A_10 = arith.constant 0 : index
    %get3A_11 = arith.constant 0 : index
    %get3A_12 = vector.load %arg2[%get3A_9, %get3A_10, %get3A_11] : memref<4x512x512xbf16, #tpu.memory_space<vmem>>, vector<1x512x512xbf16>
    %get3A_13 = vector.shape_cast %get3A_12 : vector<1x512x512xbf16> to vector<512x512xbf16>
    %dot_general3A = arith.constant dense<0.000000e+00> : vector<1024x512xf32>
    %dot_general3A_14 = tpu.matmul %convert_element_type3A_8, %get3A_13, %dot_general3A {dimension_numbers = #tpu.dot_dimension_numbers<[1], [0], [0], [1], [0, 0, 1, 1], [], []>, transpose_lhs_hint = false} : vector<1024x512xbf16>, vector<512x512xbf16>, vector<1024x512xf32> -> vector<1024x512xf32>
    %swap3A = arith.constant 0 : index
    %swap3A_15 = arith.constant 0 : index
    %swap3A_16 = arith.constant 0 : index
    %swap3A_17 = vector.load %arg3[%swap3A, %swap3A_15, %swap3A_16] : memref<1024x4x512xf32, #tpu.memory_space<vmem>>, vector<1024x1x512xf32>
    %swap3A_18 = vector.shape_cast %swap3A_17 : vector<1024x1x512xf32> to vector<1024x512xf32>
    %swap3A_19 = vector.shape_cast %dot_general3A_14 : vector<1024x512xf32> to vector<1024x1x512xf32>
    tpu.vector_store %arg3[%swap3A, %swap3A_15, %swap3A_16], %swap3A_19 {strides = array<i32>} : memref<1024x4x512xf32, #tpu.memory_space<vmem>>, vector<1024x1x512xf32>,
    %get3A_20 = arith.constant 1 : index
    %get3A_21 = arith.constant 0 : index
    %get3A_22 = arith.constant 0 : index
    %get3A_23 = vector.load %arg1[%get3A_20, %get3A_21, %get3A_22] : memref<4x1x512xi32, #tpu.memory_space<vmem>>, vector<1x1x512xi32>
    %get3A_24 = vector.shape_cast %get3A_23 : vector<1x1x512xi32> to vector<512xi32>
    %broadcast_in_dim3A_25 = vector.shape_cast %get3A_24 : vector<512xi32> to vector<1x512xi32>
    %eq3A_26 = vector.broadcast %broadcast_in_dim3A_25 : vector<1x512xi32> to vector<1024x512xi32>
    %eq3A_27 = arith.cmpi eq, %add3A_1, %eq3A_26 : vector<1024x512xi32>
    %convert_element_type3A_28 = arith.extui %eq3A_27 : vector<1024x512xi1> to vector<1024x512xi32>
    %convert_element_type3A_29 = arith.sitofp %convert_element_type3A_28 : vector<1024x512xi32> to vector<1024x512xf32>
    %convert_element_type3A_30 = arith.truncf %convert_element_type3A_29 : vector<1024x512xf32> to vector<1024x512xbf16>
    %get3A_31 = arith.constant 1 : index
    %get3A_32 = arith.constant 0 : index
    %get3A_33 = arith.constant 0 : index
    %get3A_34 = vector.load %arg2[%get3A_31, %get3A_32, %get3A_33] : memref<4x512x512xbf16, #tpu.memory_space<vmem>>, vector<1x512x512xbf16>
    %get3A_35 = vector.shape_cast %get3A_34 : vector<1x512x512xbf16> to vector<512x512xbf16>
    %dot_general3A_36 = arith.constant dense<0.000000e+00> : vector<1024x512xf32>
    %dot_general3A_37 = tpu.matmul %convert_element_type3A_30, %get3A_35, %dot_general3A_36 {dimension_numbers = #tpu.dot_dimension_numbers<[1], [0], [0], [1], [0, 0, 1, 1], [], []>, transpose_lhs_hint = false} : vector<1024x512xbf16>, vector<512x512xbf16>, vector<1024x512xf32> -> vector<1024x512xf32>
    %swap3A_38 = arith.constant 0 : index
    %swap3A_39 = arith.constant 1 : index
    %swap3A_40 = arith.constant 0 : index
    %swap3A_41 = vector.load %arg3[%swap3A_38, %swap3A_39, %swap3A_40] : memref<1024x4x512xf32, #tpu.memory_space<vmem>>, vector<1024x1x512xf32>
    %swap3A_42 = vector.shape_cast %swap3A_41 : vector<1024x1x512xf32> to vector<1024x512xf32>
    %swap3A_43 = vector.shape_cast %dot_general3A_37 : vector<1024x512xf32> to vector<1024x1x512xf32>
    tpu.vector_store %arg3[%swap3A_38, %swap3A_39, %swap3A_40], %swap3A_43 {strides = array<i32>} : memref<1024x4x512xf32, #tpu.memory_space<vmem>>, vector<1024x1x512xf32>,
    %get3A_44 = arith.constant 2 : index
    %get3A_45 = arith.constant 0 : index
    %get3A_46 = arith.constant 0 : index
    %get3A_47 = vector.load %arg1[%get3A_44, %get3A_45, %get3A_46] : memref<4x1x512xi32, #tpu.memory_space<vmem>>, vector<1x1x512xi32>
    %get3A_48 = vector.shape_cast %get3A_47 : vector<1x1x512xi32> to vector<512xi32>
    %broadcast_in_dim3A_49 = vector.shape_cast %get3A_48 : vector<512xi32> to vector<1x512xi32>
    %eq3A_50 = vector.broadcast %broadcast_in_dim3A_49 : vector<1x512xi32> to vector<1024x512xi32>
    %eq3A_51 = arith.cmpi eq, %add3A_1, %eq3A_50 : vector<1024x512xi32>
    %convert_element_type3A_52 = arith.extui %eq3A_51 : vector<1024x512xi1> to vector<1024x512xi32>
    %convert_element_type3A_53 = arith.sitofp %convert_element_type3A_52 : vector<1024x512xi32> to vector<1024x512xf32>
    %convert_element_type3A_54 = arith.truncf %convert_element_type3A_53 : vector<1024x512xf32> to vector<1024x512xbf16>
    %get3A_55 = arith.constant 2 : index
    %get3A_56 = arith.constant 0 : index
    %get3A_57 = arith.constant 0 : index
    %get3A_58 = vector.load %arg2[%get3A_55, %get3A_56, %get3A_57] : memref<4x512x512xbf16, #tpu.memory_space<vmem>>, vector<1x512x512xbf16>
    %get3A_59 = vector.shape_cast %get3A_58 : vector<1x512x512xbf16> to vector<512x512xbf16>
    %dot_general3A_60 = arith.constant dense<0.000000e+00> : vector<1024x512xf32>
    %dot_general3A_61 = tpu.matmul %convert_element_type3A_54, %get3A_59, %dot_general3A_60 {dimension_numbers = #tpu.dot_dimension_numbers<[1], [0], [0], [1], [0, 0, 1, 1], [], []>, transpose_lhs_hint = false} : vector<1024x512xbf16>, vector<512x512xbf16>, vector<1024x512xf32> -> vector<1024x512xf32>
    %swap3A_62 = arith.constant 0 : index
    %swap3A_63 = arith.constant 2 : index
    %swap3A_64 = arith.constant 0 : index
    %swap3A_65 = vector.load %arg3[%swap3A_62, %swap3A_63, %swap3A_64] : memref<1024x4x512xf32, #tpu.memory_space<vmem>>, vector<1024x1x512xf32>
    %swap3A_66 = vector.shape_cast %swap3A_65 : vector<1024x1x512xf32> to vector<1024x512xf32>
    %swap3A_67 = vector.shape_cast %dot_general3A_61 : vector<1024x512xf32> to vector<1024x1x512xf32>
    tpu.vector_store %arg3[%swap3A_62, %swap3A_63, %swap3A_64], %swap3A_67 {strides = array<i32>} : memref<1024x4x512xf32, #tpu.memory_space<vmem>>, vector<1024x1x512xf32>,
    %get3A_68 = arith.constant 3 : index
    %get3A_69 = arith.constant 0 : index
    %get3A_70 = arith.constant 0 : index
    %get3A_71 = vector.load %arg1[%get3A_68, %get3A_69, %get3A_70] : memref<4x1x512xi32, #tpu.memory_space<vmem>>, vector<1x1x512xi32>
    %get3A_72 = vector.shape_cast %get3A_71 : vector<1x1x512xi32> to vector<512xi32>
    %broadcast_in_dim3A_73 = vector.shape_cast %get3A_72 : vector<512xi32> to vector<1x512xi32>
    %eq3A_74 = vector.broadcast %broadcast_in_dim3A_73 : vector<1x512xi32> to vector<1024x512xi32>
    %eq3A_75 = arith.cmpi eq, %add3A_1, %eq3A_74 : vector<1024x512xi32>
    %convert_element_type3A_76 = arith.extui %eq3A_75 : vector<1024x512xi1> to vector<1024x512xi32>
    %convert_element_type3A_77 = arith.sitofp %convert_element_type3A_76 : vector<1024x512xi32> to vector<1024x512xf32>
    %convert_element_type3A_78 = arith.truncf %convert_element_type3A_77 : vector<1024x512xf32> to vector<1024x512xbf16>
    %get3A_79 = arith.constant 3 : index
    %get3A_80 = arith.constant 0 : index
    %get3A_81 = arith.constant 0 : index
    %get3A_82 = vector.load %arg2[%get3A_79, %get3A_80, %get3A_81] : memref<4x512x512xbf16, #tpu.memory_space<vmem>>, vector<1x512x512xbf16>
    %get3A_83 = vector.shape_cast %get3A_82 : vector<1x512x512xbf16> to vector<512x512xbf16>
    %dot_general3A_84 = arith.constant dense<0.000000e+00> : vector<1024x512xf32>
    %dot_general3A_85 = tpu.matmul %convert_element_type3A_78, %get3A_83, %dot_general3A_84 {dimension_numbers = #tpu.dot_dimension_numbers<[1], [0], [0], [1], [0, 0, 1, 1], [], []>, transpose_lhs_hint = false} : vector<1024x512xbf16>, vector<512x512xbf16>, vector<1024x512xf32> -> vector<1024x512xf32>
    %swap3A_86 = arith.constant 0 : index
    %swap3A_87 = arith.constant 3 : index
    %swap3A_88 = arith.constant 0 : index
    %swap3A_89 = vector.load %arg3[%swap3A_86, %swap3A_87, %swap3A_88] : memref<1024x4x512xf32, #tpu.memory_space<vmem>>, vector<1024x1x512xf32>
    %swap3A_90 = vector.shape_cast %swap3A_89 : vector<1024x1x512xf32> to vector<1024x512xf32>
    %swap3A_91 = vector.shape_cast %dot_general3A_85 : vector<1024x512xf32> to vector<1024x1x512xf32>
    tpu.vector_store %arg3[%swap3A_86, %swap3A_87, %swap3A_88], %swap3A_91 {strides = array<i32>} : memref<1024x4x512xf32, #tpu.memory_space<vmem>>, vector<1024x1x512xf32>,
    return
  }
  func.func @transform_0(%arg0: i32) -> (i32, i32, i32) {
    %c0_i32 = arith.constant 0 : i32
    %c0_i32_0 = arith.constant 0 : i32
    %c0_i32_1 = arith.constant 0 : i32
    %c0_i32_2 = arith.constant 0 : i32
    return %c0_i32, %c0_i32_0, %c0_i32_1 : i32, i32, i32
  }
  func.func @transform_1(%arg0: i32) -> (i32, i32, i32) {
    %c0_i32 = arith.constant 0 : i32
    %c0_i32_0 = arith.constant 0 : i32
    %c0_i32_1 = arith.constant 0 : i32
    %c0_i32_2 = arith.constant 0 : i32
    return %c0_i32, %c0_i32_0, %c0_i32_1 : i32, i32, i32
  }
  func.func @transform_2(%arg0: i32) -> (i32, i32, i32) {
    %c0_i32 = arith.constant 0 : i32
    %c0_i32_0 = arith.constant 0 : i32
    %c0_i32_1 = arith.constant 0 : i32
    return %arg0, %c0_i32, %c0_i32_0 : i32, i32, i32
  }
}

</mosaic_0001>

<sc_bundles>
// kernel: kernel.4.cloned.1.call-start
scs
__scs_entry_jumppad:
0x0: {  	(pc) =	sbr.rel $0x88, $3  }
0x1: {  	(tag) =	ssettag $0x0;
	lr =	simm.s32 $0x1  }
0x2: {  	[smem:$0x3F9B] =	sst lr;
	_ =	strace $0xD0000000  }
0x3: {  	_ = 	snop  }
0x4: {  	_ = 	snop  }
0x5: {  	_ = 	snop  }
0x6: {  	_ = 	snop  }
0x7: {  	_ = 	snop  }
__scs_overlays_trampoline_lowered:
0x8: {  	[smem:$0x3FAA] =	sst s0  }
0x9: {  	[smem:$0x3FAB] =	sst s1  }
0xa: {  	[smem:$0x3FAC] =	sst s2  }
0xb: {  	[smem:$0x3FAD] =	sst s3  }
0xc: {  	[smem:$0x3FAE] =	sst s4  }
0xd: {  	[smem:$0x3FAF] =	sst s5  }
0xe: {  	[smem:$0x3FB0] =	sst s6  }
0xf: {  	[smem:$0x3FB1] =	sst s7  }
0x10: {  	[smem:$0x3FB2] =	sst s8  }
0x11: {  	[smem:$0x3FB3] =	sst s9;
	s0 =	simm.s32 @!p0 $0x0  }
0x12: {  	s1 =	sld [smem:$0x3F99];
	s0 =	simm.s32 @p0 $0x1  }
0x13: {  	[smem:$0x3FB4] =	sst s0;
	s0 =	simm.s32 @!p1 $0x0  }
0x14: {  	s2 =	sld [smem:$0x3F98];
	s0 =	simm.s32 @p1 $0x1  }
0x15: {  	[smem:$0x3FB5] =	sst s0;
	s0 =	simm.s32 @!p2 $0x0  }
0x16: {  	s3 =	sld [smem:$0x3FDB];
	s0 =	simm.s32 @p2 $0x1  }
0x17: {  	s4 =	simm.s32 $0x1BF5;
	[smem:$0x3FB7] =	sst s0  }
0x18: {  	s0 =	sld [smem:$0x3F9A];
	_ =	swait.ge [sflag:s4], $0x0  }
0x19: {  	s7 =	sld [smem:$0x3F9B]  }
0x1a: {  	s8 =	sadd.s32 $0xFFFFE003, lr  }
0x1b: {  	s9 =	sadd.s32 $0xFFFFFEF7, lr;
	s5 =	simm.s32 $0xFFFFFFFF;
	p2 =	slt.u32 s8, $0xFFFFF086  }
0x1c: {  	p1 =	slt.u32 s9, $0xF7A;
	s5 =	simm.s32 @!p2 $0x0  }
0x1d: {  	s5 =	simm.s32 @p1 $0x1;
	p0 =	seq.s32 s7, s2  }
0x1e: {  	s7 =	smul.u32 @!p0 $0xF7A, s2;
	p2 =	seq.s32 @!p0 s5, $0x0  }
0x1f: {  	s9 =	smul.u32 $0xF7A, s1;
	s8 =	simm.s32 @!p0 $0x1BF5;
	p2 =	por !p2, p0  }
0x20: {  	[sflag:s8] =	ssyncset.s32 @!p0 $0xFFFFF086;
	s6 =	sadd.s32 @!p0 s3, s7;
	s7 =	simm.s32 @!p0 $0x108  }
0x21: {  	s3 =	sadd.s32 s3, s9;
	s6 =	sadd.s32 @!p0 $0x88, s6;
	s7 =	simm.s32 @p2 $0x1082  }
0x22: {  	[simem:s7], [sflag:s8] =	dma.local @!p0 [hbm:s6], $0xF7A  }
0x23: {  	s9 =	sor.u32 $0xD0000000, s2;
	s6 =	simm.s32 $0x108;
	_ =	swait.ge @!p0 [sflag:s8], $0x0  }
0x24: {  	s3 =	sadd.s32 $0x88, s3;
	s6 =	simm.s32 @!p1 $0x1082;
	[sflag:s4] =	ssyncset.s32 $0xFFFFF086  }
0x25: {  	[simem:s6], [sflag:s4] =	dma.local [hbm:s3], $0xF7A  }
0x26: {  	[smem:$0x3F9B] =	sst s1;
	(tag) =	ssettag s2;
	_ =	strace s9  }
0x27: {  	s1 =	sld [smem:$0x3FAB]  }
0x28: {  	s2 =	sld [smem:$0x3FAC]  }
0x29: {  	s4 =	sld [smem:$0x3FAE]  }
0x2a: {  	p0 =	seq.s32 s5, $0x0;
	s5 =	sld [smem:$0x3FAF]  }
0x2b: {  	s6 =	sld [smem:$0x3FB0]  }
0x2c: {  	s7 =	sld [smem:$0x3FB1]  }
0x2d: {  	s3 =	simm.s32 $0x108;
	s8 =	sld [smem:$0x3FB2]  }
0x2e: {  	s3 =	simm.s32 @!p0 $0x1082;
	s9 =	sld [smem:$0x3FB3]  }
0x2f: {  	lr =	sadd.s32 s0, s3;
	s0 =	sld [smem:$0x3FAA]  }
0x30: {  	s3 =	sld [smem:$0x3FAD]  }
0x31: {  	[smem:$0x3FB6] =	sst s10  }
0x32: {  	s10 =	sld [smem:$0x3FB4];
	_ =	sdelay $0x3  }
0x33: {  	p0 =	seq.s32 s10, $0x1;
	s10 =	sld [smem:$0x3FB6];
	_ =	sdelay $0x3  }
0x34: {  	[smem:$0x3FB6] =	sst s10  }
0x35: {  	s10 =	sld [smem:$0x3FB5];
	_ =	sdelay $0x3  }
0x36: {  	p1 =	seq.s32 s10, $0x1;
	s10 =	sld [smem:$0x3FB6];
	_ =	sdelay $0x3  }
0x37: {  	[smem:$0x3FB6] =	sst s10  }
0x38: {  	s10 =	sld [smem:$0x3FB7]  }
0x39: {  	_ = 	snop;
	(pc) =	sbr.ind lr, $3  }
0x3a: {  	_ = 	snop  }
0x3b: {  	_ = 	snop  }
0x3c: {  	p2 =	seq.s32 s10, $0x1;
	s10 =	sld [smem:$0x3FB6]  }
0x3d: {  	_ =	shalt  }
0x3e: {  	_ =	shalt  }
0x3f: {  	_ =	shalt  }
0x40: {  	_ =	shalt  }
0x41: {  	_ =	shalt  }
0x42: {  	_ =	shalt  }
0x43: {  	_ =	shalt  }
0x44: {  	_ =	shalt  }
0x45: {  	_ =	shalt  }
0x46: {  	_ =	shalt  }
0x47: {  	_ =	shalt  }
0x48: {  	_ =	shalt  }
0x49: {  	_ =	shalt  }
0x4a: {  	_ =	shalt  }
0x4b: {  	_ =	shalt  }
0x4c: {  	_ =	shalt  }
0x4d: {  	_ =	shalt  }
0x4e: {  	_ =	shalt  }
0x4f: {  	_ =	shalt  }
0x50: {  	_ =	shalt  }
0x51: {  	_ =	shalt  }
0x52: {  	_ =	shalt  }
0x53: {  	_ =	shalt  }
0x54: {  	_ =	shalt  }
0x55: {  	_ =	shalt  }
0x56: {  	_ =	shalt  }
0x57: {  	_ =	shalt  }
0x58: {  	_ =	shalt  }
0x59: {  	_ =	shalt  }
0x5a: {  	_ =	shalt  }
0x5b: {  	_ =	shalt  }
0x5c: {  	_ =	shalt  }
0x5d: {  	_ =	shalt  }
0x5e: {  	_ =	shalt  }
0x5f: {  	_ =	shalt  }
0x60: {  	_ =	shalt  }
0x61: {  	_ =	shalt  }
0x62: {  	_ =	shalt  }
0x63: {  	_ =	shalt  }
0x64: {  	_ =	shalt  }
0x65: {  	_ =	shalt  }
0x66: {  	_ =	shalt  }
0x67: {  	_ =	shalt  }
0x68: {  	_ =	shalt  }
0x69: {  	_ =	shalt  }
0x6a: {  	_ =	shalt  }
0x6b: {  	_ =	shalt  }
0x6c: {  	_ =	shalt  }
0x6d: {  	_ =	shalt  }
0x6e: {  	_ =	shalt  }
0x6f: {  	_ =	shalt  }
0x70: {  	_ =	shalt  }
0x71: {  	_ =	shalt  }
0x72: {  	_ =	shalt  }
0x73: {  	_ =	shalt  }
0x74: {  	_ =	shalt  }
0x75: {  	_ =	shalt  }
0x76: {  	_ =	shalt  }
0x77: {  	_ =	shalt  }
0x78: {  	_ =	shalt  }
0x79: {  	_ =	shalt  }
0x7a: {  	_ =	shalt  }
0x7b: {  	_ =	shalt  }
0x7c: {  	_ =	shalt  }
0x7d: {  	_ =	shalt  }
0x7e: {  	_ =	shalt  }
0x7f: {  	_ =	shalt  }
0x80: {  	_ =	shalt  }
0x81: {  	_ =	shalt  }
0x82: {  	_ =	shalt  }
0x83: {  	_ =	shalt  }
0x84: {  	_ =	shalt  }
0x85: {  	_ =	shalt  }
0x86: {  	_ =	shalt  }
0x87: {  	_ =	shalt  }
.Lfunc_end0:
.L_simem_size_0:
called_computation_lowered:
.L_overlay_start_0:
0x88: {  	s2 =	sld [smem:$0x3FD9]  }
0x89: {  	s3 =	sld [smem:$0x3FFE];
	_ =	sdelay $0x1  }
0x8a: {  	s1 =	srdreg.scid  }
0x8b: {  	s0 =	sand.u32 $0x1, s1  }
0x8c: {  	s14 =	sshll.u32 s0, $0xA;
	s2 =	sadd.s32 s3, s2  }
0x8d: {  	s2 =	sadd.s32 s2, s14  }
0x8e: {  	[smem:$0x3FC2] =	sst s2  }
0x8f: {  	_ = 	snop  }
0x90: {  	s2 =	sld [smem:$0x3FD0];
	_ =	sdelay $0x1  }
0x91: {  	s15 =	sld [smem:$0x3FC9]  }
0x92: {  	s5 =	simm.s32 $0xA;
	s6 =	simm.s32 $0x10;
	s4 =	sld [smem:$0x3FC8]  }
0x93: {  	[smem:s6], [sflag:s5] =	dma.local [hbm:s2], $0x1  }
0x94: {  	_ =	swait.eq [sflag:s5], $0x1  }
0x95: {  	[sflag:s5] =	ssyncset.done $0x0  }
0x96: {  	[sflag:s5] =	ssyncadd.s32 $0xFFFFFFFF  }
0x97: {  	s16 =	sld [smem:$0x10];
	(tm) =	ssettm $0x1  }
0x98: {  	s17 =	sld [smem:$0x3FFB];
	_ =	sdelay $0x3  }
0x99: {  	_ =	strace s17  }
0x9a: {  	s5 =	sld [smem:$0x3FFC];
	_ =	sdelay $0x3  }
0x9b: {  	_ =	strace s5  }
0x9c: {  	s5 =	sld [smem:$0x3FFD];
	_ =	sdelay $0x3  }
0x9d: {  	_ =	strace s5  }
0x9e: {  	_ =	strace $0x8FFFFFFF  }
0x9f: {  	s18 =	sld [smem:$0x3FDB];
	_ =	sdelay $0x1  }
0xa0: {  	s19 =	simm.s32 $_scs_section_size  }
0xa1: {  	s7 =	simm.s32 $_size__tile_overlayer_lowered;
	s8 =	simm.s32 $_tile_overlayer_lowered  }
0xa2: {  	s22 =	simm.s32 $0x1BFF;
	s21 =	sshll.u32 s8, $0x1;
	s5 =	sadd.s32 s19, s18  }
0xa3: {  	s9 =	simm.s32 $0x0;
	s20 =	sshll.u32 s7, $0x1;
	s7 =	sadd.s32 s21, s5  }
0xa4: {  	[timem:s9], [sflag:s22] =	dma.local [hbm:s7], s20  }
0xa5: {  	_ =	swait.ge [sflag:s22], s20  }
0xa6: {  	s6 =	ssub.s32 $0x0, s20;
	[sflag:s22] =	ssyncset.done $0x0  }
0xa7: {  	[sflag:s22] =	ssyncadd.s32 s6;
	_ =	sdelay $0x1  }
0xa8: {  	s23 =	simm.s32 $0x1B8B  }
0xa9: {  	_ =	swait.ge [sflag:s23], $0x1  }
0xaa: {  	[sflag:s23] =	ssyncset.done $0x0  }
0xab: {  	s25 =	simm.s32 $0x1B8E;
	s24 =	sld [smem:$0x3FFE];
	[sflag:s23] =	ssyncadd.s32 $0xFFFFFFFF  }
0xac: {  	s26 =	simm.s32 $execute0_lowered;
	[smem:$0x3FD2] =	sst s25  }
0xad: {  	s7 =	sshll.u32 s26, $0x1;
	_ =	strace $0x80000046;
	[dreg:$0x1] =	wrdreg $0xFFFFFFFF  }
0xae: {  	s28 =	simm.s32 $_size_execute0_lowered;
	s5 =	sadd.s32 s5, s7;
	[dreg:$0x0] =	wrdreg $0x0  }
0xaf: {  	s7 =	sshll.u32 s28, $0x1;
	[dreg:$0x2] =	wrdreg s5  }
0xb0: {  	[dreg:$0x3] =	wrdreg s7  }
0xb1: {  	[dreg:$0x4] =	wrdreg $0xC0  }
0xb2: {  	_ =	task [dreg:s9], $0x5FFFF  }
0xb3: {  	[dreg:$0x1] =	wrdreg $0xFFFFFFFF  }
0xb4: {  	[dreg:$0x0] =	wrdreg $0x60  }
0xb5: {  	[dreg:$0x2] =	wrdreg s15  }
0xb6: {  	[dreg:$0x3] =	wrdreg s4  }
0xb7: {  	[dreg:$0x4] =	wrdreg s24  }
0xb8: {  	[dreg:$0x5] =	wrdreg s16  }
0xb9: {  	[dreg:$0x6] =	wrdreg $0x9  }
0xba: {  	_ =	task.clear_ibuf [dreg:s9], $0x7FFFF;
	_ =	strace $0x90000046  }
0xbb: {  	s29 =	simm.s32 $0x9;
	_ =	strace $0x80000048  }
0xbc: {  	_ =	swait.ge [sflag:s29], $0x1  }
0xbd: {  	[sflag:s29] =	ssyncadd.s32 $0xFFFFFFFF  }
0xbe: {  	_ =	strace $0x90000048  }
0xbf: {  	_ =	sfence  }
0xc0: {  	s30 =	sld [smem:$0x0];
	_ =	sdelay $0x2  }
0xc1: {  	s31 =	sshll.u32 s1, $0xD;
	s1 =	sshrl.u32 s1, $0x2  }
0xc2: {  	s3 =	sand.u32 $0x4000, s31;
	s1 =	sadd.s32 s1, s30  }
0xc3: {  	s0 =	sor.u32 s3, s0;
	s1 =	sshll.u32 s1, $0x11  }
0xc4: {  	s0 =	sor.u32 s1, s0  }
0xc5: {  	s0 =	sadd.s32 $0x8F2B, s0  }
0xc6: {  	[sflag:s0] =	ssyncadd.remote.s32 $0x1  }
0xc7: {  	_ =	sfence.sel $0xFFFF  }
0xc8: {  	[dreg:$0x0] =	wrdreg $0xFFFFFFFF;
	(pc) =	sbr.abs _section_cstart, $3  }
0xc9: {  	[dreg:$0x1] =	wrdreg $0xFFFFFFFF  }
0xca: {  	_ =	task.clear_ibuf [dreg:s9], $0x2FFFF;
	_ =	strace $0x9FFFFFFF  }
0xcb: {  	(tm) =	ssettm $0x7FFFFFFF  }
tec
execute0_lowered:
.L_overlay_start_1:
0x0: {  	(tag) =	ssettag $0x1  }
0x1: {  	s6 =	rddreg [dreg:$0x0]  }
0x2: {  	s7 =	rddreg [dreg:$0x1]  }
0x3: {  	s3 =	rddreg [dreg:$0x2]  }
0x4: {  	s8 =	rddreg [dreg:$0x3]  }
0x5: {  	s0 =	rddreg [dreg:$0x4]  }
0x6: {  	s4 =	srdreg.scid;
	s1 =	stileid.u32  }
0x7: {  	s2 =	simm.s32 $0x0;
	s12 =	simm.s32 $0x8880;
	s13 =	simm.s32 $0x10880  }
0x8: {  	s14 =	simm.s32 $0x0;
	s4 =	sand.u32 $0x1, s4;
	s5 =	sshll.u32 s1, $0x1  }
0x9: {  	[smem:$0x7FF] =	sst s2;
	s3 =	sadd.s32 $0x800, s3;
	s9 =	ssub.s32 $0x2, s4  }
0xa: {  	s10 =	sor.u32 s4, s5;
	_ =	strace $0x80000047;
	s31 =	sshrl.u32 s9, $0x1  }
0xb: {  	s11 =	sshll.u32 s10, $0xD;
	s10 =	sshll.u32 s10, $0x3;
	s9 =	ssub.s32 s9, s31  }
0xc: {  	s4 =	sadd.s32 s6, s11;
	s5 =	sadd.s32 s7, s11;
	s11 =	sor.u32 $0x1000, s11  }
0xd: {  	s8 =	sadd.s32 s8, s10;
	s10 =	simm.s32 $0x1;
	s6 =	sadd.s32 s6, s11  }
0xe: {  	v0 =	vlaneseq.u32;
	s7 =	sadd.s32 s7, s11;
	s9 =	smax.u32 s9, $0x1;
	s11 =	simm.s32 $0x880  }
.LBB2_1:
0xf: {  	[tilespmem:s2], [sflag:$0x1] =	stream.linear.gather [hbm4b:s3+s2], $0x880, $0x38;
	[tilespmem:$0x10900] =	vst v63  }
0x10: {  	_ =	swait.ge [sflag:s10], $0x880  }
0x11: {  	[sflag:s10] =	ssyncset.done $0x0  }
0x12: {  	[sflag:s10] =	ssyncadd.s32 $0xFFFFF780  }
0x13: {  	[tilespmem:s11], [sflag:$0x1] =	stream.linear.gather [hbm4b:s4+s2], $0x8000, $0x38;
	[tilespmem:$0x10900] =	vst v63  }
0x14: {  	_ =	swait.ge [sflag:s10], $0x8000  }
0x15: {  	[sflag:s10] =	ssyncset.done $0x0  }
0x16: {  	[sflag:s10] =	ssyncadd.s32 $0xFFFF8000  }
0x17: {  	[tilespmem:s12], [sflag:$0x1] =	stream.linear.gather [hbm4b:s5+s2], $0x8000, $0x38;
	[tilespmem:$0x10900] =	vst v63  }
0x18: {  	_ =	swait.ge [sflag:s10], $0x8000  }
0x19: {  	[sflag:s10] =	ssyncset.done $0x0  }
0x1a: {  	p1 =	por $0x1, $0x1;
	s15 =	simm.s32 $0x0;
	[sflag:s10] =	ssyncadd.s32 $0xFFFF8000  }
.LBB2_2:
0x1b: {  	p0 =	por p1, p1  }
0x1c: {  	s16 =	sshll.u32 s15, $0xE;
	s17 =	simm.s32 $0x0;
	v2 =	vimm.f32 $0.0e+00;
	v1 =	vimm.f32 $0.0e+00;
	s18 =	simm.s32 $0x0  }
.LBB2_3:
0x1d: {  	s19 =	sshll.u32 s18, $0xA  }
0x1e: {  	s20 =	sshll.u32 s18, $0x7;
	s19 =	sand.u32 $0x2000, s19  }
0x1f: {  	s20 =	sand.u32 $0x380, s20;
	s19 =	sor.u32 s16, s19  }
0x20: {  	s24 =	sand.u32 $0x1C00, s17;
	s19 =	sor.u32 s19, s20  }
0x21: {  	s26 =	simm.s32 $0x430;
	s21 =	sand.u32 $0x40, s17;
	s20 =	sor.u32 s19, s24  }
0x22: {  	s23 =	sand.u32 $0x380, s17;
	v3 =	vld [tilespmem:s26+$0xFFFFFBD0];
	s22 =	sor.u32 s21, s20  }
0x23: {  	s24 =	sor.u32 s21, s23;
	v4 =	vld [tilespmem:s22+$0x880]  }
0x24: {  	s25 =	sor.u32 $0x10, s21;
	v5 =	vld [tilespmem:s24+$0x400]  }
0x25: {  	s28 =	sor.u32 s25, s23;
	v6 =	vld [tilespmem:s22+$0x8880]  }
0x26: {  	v7 =	vld [tilespmem:s28+$0x0];
	s24 =	sor.u32 s25, s20  }
0x27: {  	v8 =	vld [tilespmem:s24+$0x880]  }
0x28: {  	s29 =	sor.u32 $0x20, s21;
	v9 =	vld [tilespmem:s24+$0x8880];
	v3 =	vmul.f32 v3, v4  }
0x29: {  	s30 =	sor.u32 s29, s23;
	v4 =	vld [tilespmem:s26+$0xFFFFFFE0]  }
0x2a: {  	v10 =	vld [tilespmem:s30+$0x0];
	s22 =	sor.u32 s29, s20;
	v5 =	vmul.f32 v5, v6;
	v3 =	vadd.f32 v3, v2  }
0x2b: {  	v11 =	vld [tilespmem:s22+$0x880]  }
0x2c: {  	s21 =	sor.u32 $0x30, s21;
	v7 =	vmul.f32 v7, v8;
	v6 =	vld [tilespmem:s22+$0x8880];
	v5 =	vadd.f32 v5, v3  }
0x2d: {  	s31 =	sor.u32 s21, s23;
	v3 =	vld [tilespmem:s26+$0xFFFFFFF0]  }
0x2e: {  	s24 =	sor.u32 s21, s20;
	v8 =	vmul.f32 v4, v9;
	v4 =	vld [tilespmem:s31+$0x0];
	v5 =	vadd.f32 v7, v5  }
0x2f: {  	s21 =	simm.s32 $0x40;
	s22 =	simm.s32 $0x200;
	v7 =	vld [tilespmem:s24+$0x880]  }
0x30: {  	s23 =	simm.s32 $0x80;
	s20 =	simm.s32 $0x470;
	s25 =	sand.u32 $0x1C00, s22;
	v9 =	vmul.f32 v10, v11;
	v8 =	vadd.f32 v8, v5;
	v5 =	vld [tilespmem:s26+$0x0]  }
.LBB2_4:
0x31: {  	p1 =	sne.s32 s23, $0x3C0;
	s26 =	sand.u32 $0x40, s21;
	s25 =	sor.u32 s19, s25;
	v10 =	vld [tilespmem:s24+$0x8880]  }
0x32: {  	s28 =	sand.u32 $0x380, s21;
	s21 =	smov.u32 s23;
	s24 =	sor.u32 s26, s25;
	v11 =	vld [tilespmem:s20+$0xFFFFFBD0];
	v8 =	vadd.f32 v9, v8;
	v3 =	vmul.f32 v3, v6  }
0x33: {  	s29 =	sor.u32 s26, s28;
	v6 =	vld [tilespmem:s24+$0x880]  }
0x34: {  	v9 =	vld [tilespmem:s29+$0x400];
	s29 =	sor.u32 $0x10, s26;
	v3 =	vadd.f32 v3, v8;
	v4 =	vmul.f32 v4, v7  }
0x35: {  	v7 =	vld [tilespmem:s24+$0x8880];
	s24 =	sor.u32 s29, s28  }
0x36: {  	s29 =	sor.u32 s29, s25;
	v8 =	vld [tilespmem:s24+$0x0];
	v3 =	vadd.f32 v4, v3;
	v4 =	vmul.f32 v5, v10  }
0x37: {  	v5 =	vld [tilespmem:s29+$0x880]  }
0x38: {  	s24 =	sor.u32 $0x20, s26;
	v6 =	vmul.f32 v11, v6;
	v10 =	vld [tilespmem:s20+$0xFFFFFFE0];
	v3 =	vadd.f32 v4, v3  }
0x39: {  	v4 =	vld [tilespmem:s29+$0x8880];
	s29 =	sor.u32 s24, s28  }
0x3a: {  	s24 =	sor.u32 s24, s25;
	v3 =	vadd.f32 v6, v3;
	v6 =	vmul.f32 v9, v7;
	v9 =	vld [tilespmem:s29+$0x0]  }
0x3b: {  	v11 =	vld [tilespmem:s24+$0x880]  }
.Ltmp0:
0x3c: {  	s26 =	sor.u32 $0x30, s26;
	v7 =	vadd.f32 v6, v3;
	v5 =	vmul.f32 v8, v5;
	v3 =	vld [tilespmem:s20+$0xFFFFFFF0];
	(pc) =	sbr.rel @p1 .LBB2_4-.Ltmp0, $4  }
0x3d: {  	s28 =	sor.u32 s26, s28;
	v6 =	vld [tilespmem:s24+$0x8880]  }
0x3e: {  	s24 =	sor.u32 s26, s25;
	v5 =	vadd.f32 v5, v7;
	v8 =	vmul.f32 v10, v4;
	v4 =	vld [tilespmem:s28+$0x0]  }
0x3f: {  	s22 =	sadd.s32 $0x200, s22;
	v7 =	vld [tilespmem:s24+$0x880]  }
0x40: {  	s23 =	sadd.s32 $0x40, s23;
	s25 =	sand.u32 $0x1C00, s22;
	v8 =	vadd.f32 v8, v5;
	v9 =	vmul.f32 v9, v11;
	v5 =	vld [tilespmem:s20+$0x0];
	s20 =	sadd.s32 $0x40, s20  }
0x41: {  	s22 =	sand.u32 $0x40, s21;
	s19 =	sor.u32 s19, s25;
	v10 =	vld [tilespmem:s24+$0x8880]  }
0x42: {  	v11 =	vld [tilespmem:s20+$0xFFFFFBD0];
	s25 =	sand.u32 $0x380, s21;
	s23 =	sor.u32 s22, s19;
	v8 =	vadd.f32 v9, v8;
	v3 =	vmul.f32 v3, v6  }
0x43: {  	s26 =	sor.u32 s22, s25;
	v42 =	vld [tilespmem:s23+$0x880]  }
0x44: {  	s28 =	sor.u32 $0x10, s22;
	v43 =	vld [tilespmem:s26+$0x400];
	v3 =	vadd.f32 v3, v8;
	v4 =	vmul.f32 v4, v7  }
0x45: {  	v44 =	vld [tilespmem:s23+$0x8880];
	s29 =	sor.u32 s28, s25  }
0x46: {  	s24 =	sor.u32 s28, s19;
	v45 =	vld [tilespmem:s29+$0x0];
	v3 =	vadd.f32 v4, v3;
	v46 =	vmul.f32 v5, v10  }
0x47: {  	v47 =	vld [tilespmem:s24+$0x880]  }
0x48: {  	v48 =	vld [tilespmem:s20+$0xFFFFFFE0];
	s30 =	sor.u32 $0x20, s22;
	v6 =	vmul.f32 v11, v42;
	v3 =	vadd.f32 v46, v3  }
0x49: {  	s31 =	sor.u32 s30, s25;
	v49 =	vld [tilespmem:s24+$0x8880]  }
0x4a: {  	s23 =	sor.u32 s30, s19;
	v51 =	vld [tilespmem:s31+$0x0];
	v50 =	vmul.f32 v43, v44;
	v3 =	vadd.f32 v6, v3  }
0x4b: {  	v52 =	vld [tilespmem:s23+$0x880]  }
0x4c: {  	v53 =	vld [tilespmem:s20+$0xFFFFFFF0];
	s22 =	sor.u32 $0x30, s22;
	v5 =	vmul.f32 v45, v47;
	v3 =	vadd.f32 v50, v3  }
0x4d: {  	s21 =	sor.u32 s22, s25;
	v54 =	vld [tilespmem:s23+$0x8880]  }
0x4e: {  	s19 =	sor.u32 s22, s19;
	v55 =	vld [tilespmem:s21+$0x0];
	v4 =	vmul.f32 v48, v49;
	v3 =	vadd.f32 v5, v3  }
0x4f: {  	v56 =	vld [tilespmem:s19+$0x880]  }
0x50: {  	v58 =	vld [tilespmem:s20+$0x0];
	v57 =	vmul.f32 v51, v52;
	v3 =	vadd.f32 v4, v3  }
0x51: {  	v59 =	vld [tilespmem:s19+$0x8880]  }
0x52: {  	v60 =	vmul.f32 v53, v54;
	v3 =	vadd.f32 v57, v3;
	_ =	sdelay $0x1  }
0x53: {  	v61 =	vmul.f32 v55, v56;
	v3 =	vadd.f32 v60, v3;
	_ =	sdelay $0x1  }
0x54: {  	v62 =	vmul.f32 v58, v59;
	v3 =	vadd.f32 v61, v3;
	_ =	sdelay $0x1  }
0x55: {  	v3 =	vadd.f32 v62, v3;
	_ =	sdelay $0x1  }
0x56: {  	(xrf2) =	vadd.scan.msk.f32 $0xffff, v3;
	_ =	sdelay $0x6  }
0x57: {  	v3 =	vmov s18;
	s18 =	sadd.s32 $0x1, s18  }
0x58: {  	p1 =	sne.s32 s18, $0x10  }
.Ltmp1:
0x59: {  	_ = 	snop;
	(pc) =	sbr.rel @p1 .LBB2_3-.Ltmp1, $4  }
0x5a: {  	v63, _, _ =	vpop (xrf2)  }
0x5b: {  	v4 =	vbroadcast v63, $0xF  }
0x5c: {  	vm0 =	veq.s32 v3, v0  }
0x5d: {  	v1 =	vsel vm0, v4, v1  }
.Ltmp2:
0x5e: {  	(pc) =	sbr.rel @p0 .LBB2_2-.Ltmp2, $4  }
0x5f: {  	_ = 	snop  }
0x60: {  	s15 =	sshll.u32 s15, $0x4  }
0x61: {  	s15 =	sand.u32 $0x3FFFFFF0, s15  }
0x62: {  	p1 =	por $0x0, $0x0;
	[tilespmem:s15+$0x10880] =	vst v1;
	s15 =	simm.s32 $0x1  }
0x63: {  	s15 =	simm.s32 $0x0  }
0x64: {  	[tilespmem:s11], [sflag:$0x1] =	stream.linear.gather [hbm4b:s6+s15], $0x8000, $0x38;
	[tilespmem:$0x10900] =	vst v63  }
0x65: {  	_ =	swait.ge [sflag:s10], $0x8000  }
0x66: {  	[sflag:s10] =	ssyncset.done $0x0  }
0x67: {  	[sflag:s10] =	ssyncadd.s32 $0xFFFF8000  }
0x68: {  	[tilespmem:s12], [sflag:$0x1] =	stream.linear.gather [hbm4b:s7+s15], $0x8000, $0x38;
	[tilespmem:$0x10900] =	vst v63  }
0x69: {  	_ =	swait.ge [sflag:s10], $0x8000  }
0x6a: {  	[sflag:s10] =	ssyncset.done $0x0  }
0x6b: {  	p1 =	por $0x1, $0x1;
	[sflag:s10] =	ssyncadd.s32 $0xFFFF8000  }
.LBB2_8:
0x6c: {  	p0 =	por p1, p1;
	s16 =	sshll.u32 s15, $0xE;
	v2 =	vimm.f32 $0.0e+00;
	v1 =	vimm.f32 $0.0e+00;
	s17 =	simm.s32 $0x0  }
.LBB2_9:
0x6d: {  	s18 =	sshll.u32 s17, $0xA  }
0x6e: {  	s19 =	sshll.u32 s17, $0x7;
	s18 =	sand.u32 $0x2000, s18  }
0x6f: {  	s20 =	simm.s32 $0x0;
	s19 =	sand.u32 $0x380, s19;
	s18 =	sor.u32 s16, s18  }
0x70: {  	s26 =	sand.u32 $0x1C00, s20;
	s18 =	sor.u32 s18, s19  }
0x71: {  	s25 =	simm.s32 $0x430;
	s21 =	sand.u32 $0x40, s20;
	s19 =	sor.u32 s18, s26  }
0x72: {  	v3 =	vld [tilespmem:s25+$0xFFFFFBD0];
	s20 =	sand.u32 $0x380, s20;
	s22 =	sor.u32 s21, s19  }
0x73: {  	s23 =	sor.u32 s21, s20;
	v4 =	vld [tilespmem:s22+$0x880]  }
0x74: {  	s28 =	sor.u32 $0x10, s21;
	v5 =	vld [tilespmem:s23+$0x400]  }
0x75: {  	s29 =	sor.u32 s28, s20;
	v6 =	vld [tilespmem:s22+$0x8880]  }
0x76: {  	v7 =	vld [tilespmem:s29+$0x0];
	s23 =	sor.u32 s28, s19  }
0x77: {  	v8 =	vld [tilespmem:s23+$0x880]  }
0x78: {  	s30 =	sor.u32 $0x20, s21;
	v9 =	vld [tilespmem:s23+$0x8880];
	v3 =	vmul.f32 v3, v4  }
0x79: {  	s31 =	sor.u32 s30, s20;
	v4 =	vld [tilespmem:s25+$0xFFFFFFE0]  }
0x7a: {  	v10 =	vld [tilespmem:s31+$0x0];
	s22 =	sor.u32 s30, s19;
	v5 =	vmul.f32 v5, v6;
	v3 =	vadd.f32 v3, v2  }
0x7b: {  	v11 =	vld [tilespmem:s22+$0x880]  }
0x7c: {  	s21 =	sor.u32 $0x30, s21;
	v7 =	vmul.f32 v7, v8;
	v6 =	vld [tilespmem:s22+$0x8880];
	v5 =	vadd.f32 v5, v3  }
0x7d: {  	s20 =	sor.u32 s21, s20;
	v3 =	vld [tilespmem:s25+$0xFFFFFFF0]  }
0x7e: {  	s23 =	sor.u32 s21, s19;
	v8 =	vmul.f32 v4, v9;
	v4 =	vld [tilespmem:s20+$0x0];
	v5 =	vadd.f32 v7, v5  }
0x7f: {  	s21 =	simm.s32 $0x200;
	s19 =	simm.s32 $0x470;
	v7 =	vld [tilespmem:s23+$0x880]  }
0x80: {  	s24 =	sand.u32 $0x1C00, s21;
	s22 =	simm.s32 $0x80;
	s20 =	simm.s32 $0x40;
	v9 =	vmul.f32 v10, v11;
	v8 =	vadd.f32 v8, v5;
	v5 =	vld [tilespmem:s25+$0x0]  }
.LBB2_10:
0x81: {  	p1 =	sne.s32 s22, $0x3C0;
	s25 =	sand.u32 $0x40, s20;
	s24 =	sor.u32 s18, s24;
	v10 =	vld [tilespmem:s23+$0x8880]  }
0x82: {  	s26 =	sand.u32 $0x380, s20;
	s20 =	smov.u32 s22;
	s23 =	sor.u32 s25, s24;
	v11 =	vld [tilespmem:s19+$0xFFFFFBD0];
	v8 =	vadd.f32 v9, v8;
	v3 =	vmul.f32 v3, v6  }
0x83: {  	s28 =	sor.u32 s25, s26;
	v6 =	vld [tilespmem:s23+$0x880]  }
0x84: {  	v9 =	vld [tilespmem:s28+$0x400];
	s28 =	sor.u32 $0x10, s25;
	v3 =	vadd.f32 v3, v8;
	v4 =	vmul.f32 v4, v7  }
0x85: {  	v7 =	vld [tilespmem:s23+$0x8880];
	s23 =	sor.u32 s28, s26  }
0x86: {  	s28 =	sor.u32 s28, s24;
	v8 =	vld [tilespmem:s23+$0x0];
	v3 =	vadd.f32 v4, v3;
	v4 =	vmul.f32 v5, v10  }
0x87: {  	v5 =	vld [tilespmem:s28+$0x880]  }
0x88: {  	s23 =	sor.u32 $0x20, s25;
	v6 =	vmul.f32 v11, v6;
	v10 =	vld [tilespmem:s19+$0xFFFFFFE0];
	v3 =	vadd.f32 v4, v3  }
0x89: {  	v4 =	vld [tilespmem:s28+$0x8880];
	s28 =	sor.u32 s23, s26  }
0x8a: {  	s23 =	sor.u32 s23, s24;
	v3 =	vadd.f32 v6, v3;
	v6 =	vmul.f32 v9, v7;
	v9 =	vld [tilespmem:s28+$0x0]  }
0x8b: {  	v11 =	vld [tilespmem:s23+$0x880]  }
.Ltmp3:
0x8c: {  	s25 =	sor.u32 $0x30, s25;
	v7 =	vadd.f32 v6, v3;
	v5 =	vmul.f32 v8, v5;
	v3 =	vld [tilespmem:s19+$0xFFFFFFF0];
	(pc) =	sbr.rel @p1 .LBB2_10-.Ltmp3, $4  }
0x8d: {  	s26 =	sor.u32 s25, s26;
	v6 =	vld [tilespmem:s23+$0x8880]  }
0x8e: {  	s23 =	sor.u32 s25, s24;
	v5 =	vadd.f32 v5, v7;
	v8 =	vmul.f32 v10, v4;
	v4 =	vld [tilespmem:s26+$0x0]  }
0x8f: {  	s21 =	sadd.s32 $0x200, s21;
	v7 =	vld [tilespmem:s23+$0x880]  }
0x90: {  	s22 =	sadd.s32 $0x40, s22;
	s24 =	sand.u32 $0x1C00, s21;
	v8 =	vadd.f32 v8, v5;
	v9 =	vmul.f32 v9, v11;
	v5 =	vld [tilespmem:s19+$0x0];
	s19 =	sadd.s32 $0x40, s19  }
0x91: {  	s21 =	sand.u32 $0x40, s20;
	s18 =	sor.u32 s18, s24;
	v10 =	vld [tilespmem:s23+$0x8880]  }
0x92: {  	v11 =	vld [tilespmem:s19+$0xFFFFFBD0];
	s25 =	sand.u32 $0x380, s20;
	s22 =	sor.u32 s21, s18;
	v8 =	vadd.f32 v9, v8;
	v3 =	vmul.f32 v3, v6  }
0x93: {  	s26 =	sor.u32 s21, s25;
	v42 =	vld [tilespmem:s22+$0x880]  }
0x94: {  	s28 =	sor.u32 $0x10, s21;
	v43 =	vld [tilespmem:s26+$0x400];
	v3 =	vadd.f32 v3, v8;
	v4 =	vmul.f32 v4, v7  }
0x95: {  	v44 =	vld [tilespmem:s22+$0x8880];
	s29 =	sor.u32 s28, s25  }
0x96: {  	s23 =	sor.u32 s28, s18;
	v45 =	vld [tilespmem:s29+$0x0];
	v3 =	vadd.f32 v4, v3;
	v46 =	vmul.f32 v5, v10  }
0x97: {  	v47 =	vld [tilespmem:s23+$0x880]  }
0x98: {  	v48 =	vld [tilespmem:s19+$0xFFFFFFE0];
	s30 =	sor.u32 $0x20, s21;
	v6 =	vmul.f32 v11, v42;
	v3 =	vadd.f32 v46, v3  }
0x99: {  	s31 =	sor.u32 s30, s25;
	v49 =	vld [tilespmem:s23+$0x8880]  }
0x9a: {  	s22 =	sor.u32 s30, s18;
	v51 =	vld [tilespmem:s31+$0x0];
	v50 =	vmul.f32 v43, v44;
	v3 =	vadd.f32 v6, v3  }
0x9b: {  	v52 =	vld [tilespmem:s22+$0x880]  }
0x9c: {  	v53 =	vld [tilespmem:s19+$0xFFFFFFF0];
	s21 =	sor.u32 $0x30, s21;
	v5 =	vmul.f32 v45, v47;
	v3 =	vadd.f32 v50, v3  }
0x9d: {  	s20 =	sor.u32 s21, s25;
	v54 =	vld [tilespmem:s22+$0x8880]  }
0x9e: {  	s18 =	sor.u32 s21, s18;
	v55 =	vld [tilespmem:s20+$0x0];
	v4 =	vmul.f32 v48, v49;
	v3 =	vadd.f32 v5, v3  }
0x9f: {  	v56 =	vld [tilespmem:s18+$0x880]  }
0xa0: {  	v58 =	vld [tilespmem:s19+$0x0];
	v57 =	vmul.f32 v51, v52;
	v3 =	vadd.f32 v4, v3  }
0xa1: {  	v59 =	vld [tilespmem:s18+$0x8880]  }
0xa2: {  	v60 =	vmul.f32 v53, v54;
	v3 =	vadd.f32 v57, v3;
	_ =	sdelay $0x1  }
0xa3: {  	v61 =	vmul.f32 v55, v56;
	v3 =	vadd.f32 v60, v3;
	_ =	sdelay $0x1  }
0xa4: {  	v62 =	vmul.f32 v58, v59;
	v3 =	vadd.f32 v61, v3;
	_ =	sdelay $0x1  }
0xa5: {  	v3 =	vadd.f32 v62, v3;
	_ =	sdelay $0x1  }
0xa6: {  	(xrf2) =	vadd.scan.msk.f32 $0xffff, v3;
	_ =	sdelay $0x6  }
0xa7: {  	v3 =	vmov s17;
	s17 =	sadd.s32 $0x1, s17  }
0xa8: {  	p1 =	sne.s32 s17, $0x10  }
.Ltmp4:
0xa9: {  	_ = 	snop;
	(pc) =	sbr.rel @p1 .LBB2_9-.Ltmp4, $4  }
0xaa: {  	v63, _, _ =	vpop (xrf2)  }
0xab: {  	v4 =	vbroadcast v63, $0xF  }
0xac: {  	vm0 =	veq.s32 v3, v0  }
0xad: {  	v1 =	vsel vm0, v4, v1  }
.Ltmp5:
0xae: {  	(pc) =	sbr.rel @p0 .LBB2_8-.Ltmp5, $4  }
0xaf: {  	_ = 	snop  }
0xb0: {  	s15 =	sshll.u32 s15, $0x4  }
0xb1: {  	s15 =	sand.u32 $0x3FFFFFF0, s15  }
0xb2: {  	p1 =	por $0x0, $0x0;
	[tilespmem:s15+$0x108A0] =	vst v1;
	s15 =	simm.s32 $0x1  }
0xb3: {  	v1 =	vld [tilespmem:$0x800]  }
0xb4: {  	v2 =	vld [tilespmem:$0x10880];
	_ =	sdelay $0x4  }
0xb5: {  	v2 =	vadd.f32 v2, v1;
	_ =	sdelay $0x1  }
0xb6: {  	v2 =	vsub.f32 $0.0e+00, v2;
	_ =	sdelay $0x1  }
0xb7: {  	v2 =	vmul.f32 $1.442695020e+00, v2;
	_ =	sdelay $0x1  }
0xb8: {  	(erf) = vpow2.f32 v2;
	_ =	sdelay $0x1  }
0xb9: {  	v2 =	vld [tilespmem:$0x10890];
	_ =	sdelay $0x4  }
0xba: {  	v2 =	vadd.f32 v2, v1;
	_ =	sdelay $0x1  }
0xbb: {  	v2 =	vsub.f32 $0.0e+00, v2;
	v3 =	vpop (erf)  }
0xbc: {  	v3 =	vadd.f32 $1.000000000e+00, v3  }
0xbd: {  	v2 =	vmul.f32 $1.442695020e+00, v2  }
0xbe: {  	(erf) = vrcp.f32 v3  }
0xbf: {  	(erf) = vpow2.f32 v2;
	_ =	sdelay $0x1  }
0xc0: {  	v2 =	vld [tilespmem:$0x108A0];
	_ =	sdelay $0x4  }
0xc1: {  	v2 =	vadd.f32 v2, v1  }
0xc2: {  	v3 =	vpop (erf)  }
0xc3: {  	v2 =	vsub.f32 $0.0e+00, v2;
	v4 =	vpop (erf)  }
0xc4: {  	v4 =	vadd.f32 $1.000000000e+00, v4  }
0xc5: {  	v2 =	vmul.f32 $1.442695020e+00, v2  }
0xc6: {  	(erf) = vrcp.f32 v4  }
0xc7: {  	(erf) = vpow2.f32 v2;
	_ =	sdelay $0x1  }
0xc8: {  	v2 =	vld [tilespmem:$0x108B0];
	_ =	sdelay $0x4  }
0xc9: {  	v1 =	vadd.f32 v2, v1  }
0xca: {  	v2 =	vpop (erf)  }
0xcb: {  	v1 =	vsub.f32 $0.0e+00, v1;
	v62 =	vpop (erf)  }
0xcc: {  	v4 =	vadd.f32 $1.000000000e+00, v62  }
0xcd: {  	v1 =	vmul.f32 $1.442695020e+00, v1  }
0xce: {  	(erf) = vrcp.f32 v4  }
0xcf: {  	(erf) = vpow2.f32 v1;
	_ =	sdelay $0x7  }
0xd0: {  	v1 =	vpop (erf)  }
0xd1: {  	v63 =	vpop (erf)  }
0xd2: {  	v4 =	vadd.f32 $1.000000000e+00, v63;
	_ =	sdelay $0x1  }
0xd3: {  	(erf) = vrcp.f32 v4;
	_ =	sdelay $0x6  }
0xd4: {  	[tilespmem:$0x10880] =	vst v3  }
0xd5: {  	s14 =	sadd.s32 $0x1, s14;
	[tilespmem:$0x10890] =	vst v2  }
0xd6: {  	p0 =	sne.s32 s14, s9;
	[tilespmem:$0x108A0] =	vst v1;
	v1 =	vpop (erf)  }
.Ltmp6:
0xd7: {  	[tilespmem:$0x108B0] =	vst v1;
	(pc) =	sbr.rel @p0 .LBB2_1-.Ltmp6, $4  }
0xd8: {  	[hbm4b:s8+s2] =	stream.linear.scatter [tilespmem:s13], [sflag:$0x1], $0x40, $0x38;
	[tilespmem:$0x10900] =	vst v63  }
0xd9: {  	_ =	swait.ge [sflag:s10], $0x40  }
0xda: {  	[sflag:s10] =	ssyncset.done $0x0  }
0xdb: {  	[sflag:s10] =	ssyncadd.s32 $0xFFFFFFC0  }
0xdc: {  	_ =	sfence.sel $0x180000  }
0xdd: {  	[bflag:$0x0] =	sbarrier.arrive $0xFFFF  }
0xde: {  	p0 =	sne.s32 s1, $0x0;
	_ =	strace $0x90000047  }
0xdf: {  	s0 =	sadd.s32 @!p0 $0x100000, s0;
	[bflag:$0x2] =	sbarrier.arrive $0xFFFF  }
0xe0: {  	[sflag:s0] =	ssyncadd.tile.s32 @!p0 $0x1;
	_ =	shalt  }
.Lfunc_end2:
_tile_overlayer_lowered:
.L_overlay_start_2:
0xe1: {  	(tag) =	ssettag $0x2  }
0xe2: {  	s0 =	rddreg [dreg:$0x0];
	s2 =	stileid.u32  }
0xe3: {  	s1 =	rddreg [dreg:$0x1];
	p0 =	sne.s32 s2, $0x0  }
0xe4: {  	s3 =	rddreg [dreg:$0x2];
	[bflag:$0x3] =	sbarrier.arrive $0xFFFF;
	s2 =	simm.s32 @!p0 $0x1C01  }
0xe5: {  	[timem:s3], [sflag:s2] =	dma.local @!p0 [hbm:s0], s1  }
0xe6: {  	s0 =	simm.s32 @!p0 $0x1  }
0xe7: {  	_ =	swait.ge @!p0 [sflag:s0], s1  }
0xe8: {  	s1 =	ssub.s32 @!p0 $0x0, s1;
	[sflag:s0] =	ssyncset.done @!p0 $0x0  }
0xe9: {  	[sflag:s0] =	ssyncadd.s32 @!p0 s1  }
0xea: {  	[bflag:$0x3] =	sbarrier.arrive $0xFFFF  }
0xeb: {  	_ =	shalt  }

</sc_bundles>
